<compile_context>
chip_gen: v7x
topology: tpu7x:2x2x1
jax: 0.10.2.dev20260603
libtpu: 0.0.44.dev20260713+nightly
codegen_flags: <defaults>
</compile_context>

<pallas_src>
import functools

import jax
import jax.numpy as jnp
from jax import lax
from jax.experimental import pallas as pl
from jax.experimental.pallas import tpu as pltpu
from jax.experimental.pallas import tpu_sc as plsc

N = 10000
D = 128
H = D // 2
E = 320000
WID = H + 16
ACC_ROWS = 10240
NC, NS = 2, 16
CHUNK = 128
TILE_CH = 160
E_PAD = NS * TILE_CH * CHUNK
ROWS_PER_TILE = ACC_ROWS // NS

_BLK = 400
_GRID = N // _BLK

_f32 = jnp.float32
_HIGH = jax.lax.Precision.HIGHEST


def _dot(a, b):
    return jnp.dot(a, b, precision=_HIGH, preferred_element_type=_f32)



def _tables(xw):
    ones = jnp.ones((_BLK, WID - H), _f32)
    return (jnp.concatenate([xw[:, :H], ones], axis=1),
            jnp.concatenate([xw[:, H:], ones], axis=1))


def _pre_body(x_ref, wl_ref, wr_ref, t0_ref, t1_ref, xr_ref):
    xb = x_ref[...]
    t0, t1 = _tables(_dot(xb, wl_ref[...]))
    t0_ref[...] = t0
    t1_ref[...] = t1
    xr_ref[...] = _dot(xb, wr_ref[...])


def _combine(p0_ref, p1_ref, b_ref, add_ref):
    p0 = p0_ref[...]
    p1 = p1_ref[...]
    seg = jnp.concatenate([p0[:, :H], p1[:, :H]], axis=1)
    cnt = p0[:, H:H + 1]
    mean = seg / jnp.maximum(cnt, 1.0)
    return mean + b_ref[...] + add_ref[...]


def _mid_body(p0_ref, p1_ref, b_ref, xr_ref, wl_ref, wr_ref,
              hid_ref, t0_ref, t1_ref, hr_ref):
    hid = _combine(p0_ref, p1_ref, b_ref, xr_ref)
    hid_ref[...] = hid
    t0, t1 = _tables(_dot(hid, wl_ref[...]))
    t0_ref[...] = t0
    t1_ref[...] = t1
    hr_ref[...] = _dot(hid, wr_ref[...])


def _post_body(p0_ref, p1_ref, b_ref, hr_ref, out_ref):
    out_ref[...] = _combine(p0_ref, p1_ref, b_ref, hr_ref)


_row_spec = pl.BlockSpec((_BLK, D), lambda i: (i, 0))
_half_spec = pl.BlockSpec((_BLK, WID), lambda i: (i, 0))
_w_spec = pl.BlockSpec((D, D), lambda i: (0, 0))
_b_spec = pl.BlockSpec((1, D), lambda i: (0, 0))

_pre_call = pl.pallas_call(
    _pre_body,
    grid=(_GRID,),
    in_specs=[_row_spec, _w_spec, _w_spec],
    out_specs=[_half_spec, _half_spec, _row_spec],
    out_shape=[jax.ShapeDtypeStruct((N, WID), _f32),
               jax.ShapeDtypeStruct((N, WID), _f32),
               jax.ShapeDtypeStruct((N, D), _f32)],
)

_mid_call = pl.pallas_call(
    _mid_body,
    grid=(_GRID,),
    in_specs=[_half_spec, _half_spec, _b_spec, _row_spec, _w_spec, _w_spec],
    out_specs=[_row_spec, _half_spec, _half_spec, _row_spec],
    out_shape=[jax.ShapeDtypeStruct((N, D), _f32),
               jax.ShapeDtypeStruct((N, WID), _f32),
               jax.ShapeDtypeStruct((N, WID), _f32),
               jax.ShapeDtypeStruct((N, D), _f32)],
)

_post_call = pl.pallas_call(
    _post_body,
    grid=(_GRID,),
    in_specs=[_half_spec, _half_spec, _b_spec, _row_spec],
    out_specs=_row_spec,
    out_shape=jax.ShapeDtypeStruct((N, D), _f32),
)



def _sc_seg_body(table_hbm, src_hbm, dst_hbm, zeros_hbm, out_hbm,
                 src_v, dst_v, rows0, rows1, acc, sem0, sem1):
    c = lax.axis_index("c")
    s = lax.axis_index("s")

    pltpu.sync_copy(src_hbm.at[c * NS + s], src_v)
    pltpu.sync_copy(dst_hbm.at[s], dst_v)

    r0 = s * ROWS_PER_TILE
    pltpu.sync_copy(zeros_hbm.at[pl.ds(r0, ROWS_PER_TILE)],
                    acc.at[pl.ds(r0, ROWS_PER_TILE)])
    plsc.subcore_barrier()

    @pl.loop(0, TILE_CH, step=2)
    def _(j):
        cp0 = pltpu.async_copy(table_hbm.at[src_v.at[j]], rows0, sem0)
        cp1 = pltpu.async_copy(table_hbm.at[src_v.at[j + 1]], rows1, sem1)
        cp0.wait()
        pltpu.sync_copy(rows0, acc.at[dst_v.at[j]], add=True)
        cp1.wait()
        pltpu.sync_copy(rows1, acc.at[dst_v.at[j + 1]], add=True)

    plsc.subcore_barrier()
    pltpu.sync_copy(acc.at[pl.ds(r0, ROWS_PER_TILE)],
                    out_hbm.at[c].at[pl.ds(r0, ROWS_PER_TILE)])


_sc_seg = functools.partial(
    pl.kernel,
    out_type=jax.ShapeDtypeStruct((NC, ACC_ROWS, WID), _f32),
    mesh=plsc.VectorSubcoreMesh(core_axis_name="c", subcore_axis_name="s"),
    compiler_params=pltpu.CompilerParams(use_tc_tiling_on_sc=False),
    scratch_types=[
        pltpu.VMEM((TILE_CH, CHUNK), jnp.int32),
        pltpu.VMEM((TILE_CH, CHUNK), jnp.int32),
        pltpu.VMEM((CHUNK, WID), _f32),
        pltpu.VMEM((CHUNK, WID), _f32),
        pltpu.VMEM_SHARED((ACC_ROWS, WID), _f32),
        pltpu.SemaphoreType.DMA,
        pltpu.SemaphoreType.DMA,
    ],
)(_sc_seg_body)



@jax.jit
def _run(x, edge_index, W_l1, b_l1, W_r1, W_l2, b_l2, W_r2):
    src = edge_index[0]
    dst = edge_index[1]
    pad = E_PAD - E
    src_p = jnp.concatenate([src, jnp.zeros((pad,), jnp.int32)])
    src_b = jnp.concatenate([src_p, src_p + N]).reshape(
        NC * NS, TILE_CH, CHUNK)
    dst_b = jnp.concatenate(
        [dst, jnp.full((pad,), N, jnp.int32)]).reshape(NS, TILE_CH, CHUNK)
    zeros = jnp.zeros((ACC_ROWS, WID), _f32)
    b1 = b_l1.reshape(1, D)
    b2 = b_l2.reshape(1, D)

    t0, t1, xr1 = _pre_call(x, W_l1, W_r1)
    table1 = jnp.concatenate([t0, t1], axis=0)
    parts1 = _sc_seg(table1, src_b, dst_b, zeros)
    hid, t0, t1, hr2 = _mid_call(parts1[0], parts1[1], b1, xr1, W_l2, W_r2)
    table2 = jnp.concatenate([t0, t1], axis=0)
    parts2 = _sc_seg(table2, src_b, dst_b, zeros)
    out = _post_call(parts2[0], parts2[1], b2, hr2)
    return out, hid


def kernel(x, edge_index, W_l1, b_l1, W_r1, W_l2, b_l2, W_r2):
    return _run(x, edge_index, W_l1, b_l1, W_r1, W_l2, b_l2, W_r2)

# --- scband reference (transcript-rebuilt; emitter-appended) ---
"""Pipeline reference for scband-sage-31233002176550 (READ-ONLY COPY).

The authoritative reference and input builder live on the scoring server;
editing this copy changes nothing except your own understanding.
"""

import jax, jax.numpy as jnp
import numpy as np

N_NODES = 10000
N_EDGES = 320000
IN_DIM = 128
HID_DIM = 128
OUT_DIM = 128


def setup_inputs(seed: int = 0) -> dict:
    key = jax.random.key(seed)
    k = jax.random.split(key, 10)
    x = jax.random.normal(k[0], (N_NODES, IN_DIM), dtype=jnp.float32)
    edge_index = jax.random.randint(k[1], (2, N_EDGES), 0, N_NODES, dtype=jnp.int64 if jax.config.jax_enable_x64 else jnp.int32).astype(jnp.int32)
    s1 = 1.0 / np.sqrt(IN_DIM)
    s2 = 1.0 / np.sqrt(HID_DIM)
    # SAGEConv layer 1: lin_l (neighbor agg, with bias), lin_r (root, no bias)
    W_l1 = jax.random.uniform(k[2], (IN_DIM, HID_DIM), jnp.float32, -s1, s1)
    b_l1 = jax.random.uniform(k[3], (HID_DIM,), jnp.float32, -s1, s1)
    W_r1 = jax.random.uniform(k[4], (IN_DIM, HID_DIM), jnp.float32, -s1, s1)
    # SAGEConv layer 2
    W_l2 = jax.random.uniform(k[5], (HID_DIM, OUT_DIM), jnp.float32, -s2, s2)
    b_l2 = jax.random.uniform(k[6], (OUT_DIM,), jnp.float32, -s2, s2)
    W_r2 = jax.random.uniform(k[7], (HID_DIM, OUT_DIM), jnp.float32, -s2, s2)
    return {"x": x, "edge_index": edge_index, "W_l1": W_l1, "b_l1": b_l1, "W_r1": W_r1,
            "W_l2": W_l2, "b_l2": b_l2, "W_r2": W_r2}


def _sage_conv(x, src, dst, W_l, b_l, W_r, num_nodes):
    # message: gather source-node features along edges
    msgs = jnp.take(x, src, axis=0)
    # mean aggregation at destination nodes (PyG SAGEConv default aggr='mean')
    summed = jax.ops.segment_sum(msgs, dst, num_segments=num_nodes)
    cnt = jax.ops.segment_sum(jnp.ones((src.shape[0],), dtype=x.dtype), dst, num_segments=num_nodes)
    mean = summed / jnp.clip(cnt, 1.0, None)[:, None]
    # out = lin_l(aggr) + lin_r(x_root)
    return mean @ W_l + b_l + x @ W_r


def reference(x, edge_index, W_l1, b_l1, W_r1, W_l2, b_l2, W_r2):
    src = edge_index[0]
    dst = edge_index[1]
    hid = _sage_conv(x, src, dst, W_l1, b_l1, W_r1, N_NODES)
    out = _sage_conv(hid, src, dst, W_l2, b_l2, W_r2, N_NODES)
    return (out, hid)

if __name__ == "__main__":
    import jax
    _d = setup_inputs()
    print(jax.jit(kernel)(*tuple(_d.values())))

</pallas_src>

<mosaic_0001>
#map = affine_map<(d0, d1) -> (0, 0)>
#map1 = affine_map<(d0, d1) -> (0, 0, 0)>
module attributes {stable_mosaic.version = 14 : i64} {
  func.func @_sc_seg_body(%arg0: i32, %arg1: i32, %arg2: memref<20000x80xf32, #tpu.memory_space<hbm>>, %arg3: memref<32x160x128xi32, #tpu.memory_space<hbm>>, %arg4: memref<16x160x128xi32, #tpu.memory_space<hbm>>, %arg5: memref<10240x80xf32, #tpu.memory_space<hbm>>, %arg6: memref<2x10240x80xf32, #tpu.memory_space<hbm>>, %arg7: memref<160x128xi32, #tpu.memory_space<vmem>>, %arg8: memref<160x128xi32, #tpu.memory_space<vmem>>, %arg9: memref<128x80xf32, #tpu.memory_space<vmem>>, %arg10: memref<128x80xf32, #tpu.memory_space<vmem>>, %arg11: memref<10240x80xf32, #tpu.memory_space<vmem_shared>>, %arg12: memref<!tpu.dma_semaphore, #tpu.memory_space<semaphore_mem>>, %arg13: memref<!tpu.dma_semaphore, #tpu.memory_space<semaphore_mem>>) attributes {dimension_semantics = [#tpu.dimension_semantics<core_parallel>, #tpu.dimension_semantics<subcore_parallel>], iteration_bounds = array<i64: 2, 16>, scalar_prefetch = 0 : i64, scratch_operands = 7 : i64, tpu.core_type = #tpu.core_type<sc_vector_subcore>, window_params = [{transform_indices = #map}, {transform_indices = #map1}, {transform_indices = #map1}, {transform_indices = #map}, {transform_indices = #map1}]} {
    %mul3A = arith.constant 16 : i32
    %mul3A_0 = arith.muli %arg0, %mul3A : i32
    %add3A = arith.addi %mul3A_0, %arg1 : i32
    "tpu.region"() ({
      %run_scoped3A = tpu.sem_alloc : memref<!tpu.dma_semaphore, #tpu.memory_space<semaphore_mem>>
      %dma_start3A = arith.constant 0 : i32
      %dma_start3A_8 = arith.constant 0 : i32
      %dma_start3A_9 = tpu.memref_slice %arg3[%add3A, %dma_start3A, %dma_start3A_8] : memref<32x160x128xi32, #tpu.memory_space<hbm>> -> memref<1x160x128xi32, #tpu.memory_space<hbm>>
      %dma_start3A_10 = tpu.memref_squeeze %dma_start3A_9 : memref<1x160x128xi32, #tpu.memory_space<hbm>> -> memref<160x128xi32, #tpu.memory_space<hbm>>
      %dma_start3A_11 = arith.constant 0 : i32
      %dma_start3A_12 = arith.constant 0 : i32
      %dma_start3A_13 = tpu.memref_slice %arg3[%add3A, %dma_start3A_11, %dma_start3A_12] : memref<32x160x128xi32, #tpu.memory_space<hbm>> -> memref<1x160x128xi32, #tpu.memory_space<hbm>>
      %dma_start3A_14 = tpu.memref_squeeze %dma_start3A_13 : memref<1x160x128xi32, #tpu.memory_space<hbm>> -> memref<160x128xi32, #tpu.memory_space<hbm>>
      tpu.enqueue_dma source(%dma_start3A_14 : memref<160x128xi32, #tpu.memory_space<hbm>>) target(%arg7 : memref<160x128xi32, #tpu.memory_space<vmem>>) target_semaphore(%run_scoped3A : memref<!tpu.dma_semaphore, #tpu.memory_space<semaphore_mem>>)
      %dma_wait3A = arith.constant 0 : i32
      %dma_wait3A_15 = arith.constant 0 : i32
      %dma_wait3A_16 = tpu.memref_slice %arg3[%add3A, %dma_wait3A, %dma_wait3A_15] : memref<32x160x128xi32, #tpu.memory_space<hbm>> -> memref<1x160x128xi32, #tpu.memory_space<hbm>>
      %dma_wait3A_17 = tpu.memref_squeeze %dma_wait3A_16 : memref<1x160x128xi32, #tpu.memory_space<hbm>> -> memref<160x128xi32, #tpu.memory_space<hbm>>
      %dma_wait3A_18 = arith.constant 0 : i32
      %dma_wait3A_19 = arith.constant 0 : i32
      %dma_wait3A_20 = tpu.memref_slice %arg3[%add3A, %dma_wait3A_18, %dma_wait3A_19] : memref<32x160x128xi32, #tpu.memory_space<hbm>> -> memref<1x160x128xi32, #tpu.memory_space<hbm>>
      %dma_wait3A_21 = tpu.memref_squeeze %dma_wait3A_20 : memref<1x160x128xi32, #tpu.memory_space<hbm>> -> memref<160x128xi32, #tpu.memory_space<hbm>>
      tpu.wait_dma2 semaphore(%run_scoped3A : memref<!tpu.dma_semaphore, #tpu.memory_space<semaphore_mem>>) src(%dma_wait3A_21 : memref<160x128xi32, #tpu.memory_space<hbm>>) dst(%arg7 : memref<160x128xi32, #tpu.memory_space<vmem>>)
      tpu.yield
    }) : () -> ()
    "tpu.region"() ({
      %run_scoped3A = tpu.sem_alloc : memref<!tpu.dma_semaphore, #tpu.memory_space<semaphore_mem>>
      %dma_start3A = arith.constant 0 : i32
      %dma_start3A_8 = arith.constant 0 : i32
      %dma_start3A_9 = tpu.memref_slice %arg4[%arg1, %dma_start3A, %dma_start3A_8] : memref<16x160x128xi32, #tpu.memory_space<hbm>> -> memref<1x160x128xi32, #tpu.memory_space<hbm>>
      %dma_start3A_10 = tpu.memref_squeeze %dma_start3A_9 : memref<1x160x128xi32, #tpu.memory_space<hbm>> -> memref<160x128xi32, #tpu.memory_space<hbm>>
      %dma_start3A_11 = arith.constant 0 : i32
      %dma_start3A_12 = arith.constant 0 : i32
      %dma_start3A_13 = tpu.memref_slice %arg4[%arg1, %dma_start3A_11, %dma_start3A_12] : memref<16x160x128xi32, #tpu.memory_space<hbm>> -> memref<1x160x128xi32, #tpu.memory_space<hbm>>
      %dma_start3A_14 = tpu.memref_squeeze %dma_start3A_13 : memref<1x160x128xi32, #tpu.memory_space<hbm>> -> memref<160x128xi32, #tpu.memory_space<hbm>>
      tpu.enqueue_dma source(%dma_start3A_14 : memref<160x128xi32, #tpu.memory_space<hbm>>) target(%arg8 : memref<160x128xi32, #tpu.memory_space<vmem>>) target_semaphore(%run_scoped3A : memref<!tpu.dma_semaphore, #tpu.memory_space<semaphore_mem>>)
      %dma_wait3A = arith.constant 0 : i32
      %dma_wait3A_15 = arith.constant 0 : i32
      %dma_wait3A_16 = tpu.memref_slice %arg4[%arg1, %dma_wait3A, %dma_wait3A_15] : memref<16x160x128xi32, #tpu.memory_space<hbm>> -> memref<1x160x128xi32, #tpu.memory_space<hbm>>
      %dma_wait3A_17 = tpu.memref_squeeze %dma_wait3A_16 : memref<1x160x128xi32, #tpu.memory_space<hbm>> -> memref<160x128xi32, #tpu.memory_space<hbm>>
      %dma_wait3A_18 = arith.constant 0 : i32
      %dma_wait3A_19 = arith.constant 0 : i32
      %dma_wait3A_20 = tpu.memref_slice %arg4[%arg1, %dma_wait3A_18, %dma_wait3A_19] : memref<16x160x128xi32, #tpu.memory_space<hbm>> -> memref<1x160x128xi32, #tpu.memory_space<hbm>>
      %dma_wait3A_21 = tpu.memref_squeeze %dma_wait3A_20 : memref<1x160x128xi32, #tpu.memory_space<hbm>> -> memref<160x128xi32, #tpu.memory_space<hbm>>
      tpu.wait_dma2 semaphore(%run_scoped3A : memref<!tpu.dma_semaphore, #tpu.memory_space<semaphore_mem>>) src(%dma_wait3A_21 : memref<160x128xi32, #tpu.memory_space<hbm>>) dst(%arg8 : memref<160x128xi32, #tpu.memory_space<vmem>>)
      tpu.yield
    }) : () -> ()
    %mul3A_1 = arith.constant 640 : i32
    %mul3A_2 = arith.muli %arg1, %mul3A_1 : i32
    "tpu.region"() ({
      %run_scoped3A = tpu.sem_alloc : memref<!tpu.dma_semaphore, #tpu.memory_space<semaphore_mem>>
      %dma_start3A = arith.constant 0 : i32
      %dma_start3A_8 = tpu.memref_slice %arg11[%mul3A_2, %dma_start3A] : memref<10240x80xf32, #tpu.memory_space<vmem_shared>> -> memref<640x80xf32, #tpu.memory_space<vmem_shared>>
      %dma_start3A_9 = arith.constant 0 : i32
      %dma_start3A_10 = tpu.memref_slice %arg5[%mul3A_2, %dma_start3A_9] : memref<10240x80xf32, #tpu.memory_space<hbm>> -> memref<640x80xf32, #tpu.memory_space<hbm>>
      tpu.enqueue_dma source(%dma_start3A_10 : memref<640x80xf32, #tpu.memory_space<hbm>>) target(%dma_start3A_8 : memref<640x80xf32, #tpu.memory_space<vmem_shared>>) target_semaphore(%run_scoped3A : memref<!tpu.dma_semaphore, #tpu.memory_space<semaphore_mem>>)
      %dma_wait3A = arith.constant 0 : i32
      %dma_wait3A_11 = tpu.memref_slice %arg11[%mul3A_2, %dma_wait3A] : memref<10240x80xf32, #tpu.memory_space<vmem_shared>> -> memref<640x80xf32, #tpu.memory_space<vmem_shared>>
      %dma_wait3A_12 = arith.constant 0 : i32
      %dma_wait3A_13 = tpu.memref_slice %arg5[%mul3A_2, %dma_wait3A_12] : memref<10240x80xf32, #tpu.memory_space<hbm>> -> memref<640x80xf32, #tpu.memory_space<hbm>>
      tpu.wait_dma2 semaphore(%run_scoped3A : memref<!tpu.dma_semaphore, #tpu.memory_space<semaphore_mem>>) src(%dma_wait3A_13 : memref<640x80xf32, #tpu.memory_space<hbm>>) dst(%dma_wait3A_11 : memref<640x80xf32, #tpu.memory_space<vmem_shared>>)
      tpu.yield
    }) : () -> ()
    %barrier3A = arith.constant 0 : index
    tpu.barrier barrier_id(%barrier3A)
    %scan3A = arith.constant 0 : i32
    %scan3A_3 = arith.constant 80 : i32
    %scan3A_4 = arith.addi %scan3A, %scan3A_3 : i32
    %scan3A_5 = arith.constant 1 : i32
    scf.for %scan3A_8 = %scan3A to %scan3A_4 step %scan3A_5  : i32 {
      %mul3A_9 = arith.constant 2 : i32
      %mul3A_10 = arith.muli %scan3A_8, %mul3A_9 : i32
      %add3A_11 = arith.constant 0 : i32
      %add3A_12 = arith.addi %add3A_11, %mul3A_10 : i32
      %dma_start3A = arith.constant 0 : i32
      %dma_start3A_13 = tpu.memref_slice %arg7[%add3A_12, %dma_start3A] : memref<160x128xi32, #tpu.memory_space<vmem>> -> memref<1x128xi32, #tpu.memory_space<vmem>>
      %dma_start3A_14 = tpu.memref_squeeze %dma_start3A_13 : memref<1x128xi32, #tpu.memory_space<vmem>> -> memref<128xi32, #tpu.memory_space<vmem>>
      %dma_start3A_15 = arith.constant 0 : i32
      %dma_start3A_16 = arith.constant 0 : i32
      %dma_start3A_17 = tpu.memref_slice %arg2[%dma_start3A_15, %dma_start3A_16] : memref<20000x80xf32, #tpu.memory_space<hbm>> -> memref<20000x80xf32, #tpu.memory_space<hbm>>
      tpu.enqueue_indirect_dma source(%dma_start3A_17 : memref<20000x80xf32, #tpu.memory_space<hbm>>) target(%arg9 : memref<128x80xf32, #tpu.memory_space<vmem>>) offsets(%dma_start3A_14 : memref<128xi32, #tpu.memory_space<vmem>>) semaphore(%arg12 : memref<!tpu.dma_semaphore, #tpu.memory_space<semaphore_mem>>)
      %add3A_18 = arith.constant 1 : i32
      %add3A_19 = arith.addi %add3A_12, %add3A_18 : i32
      %dma_start3A_20 = arith.constant 0 : i32
      %dma_start3A_21 = tpu.memref_slice %arg7[%add3A_19, %dma_start3A_20] : memref<160x128xi32, #tpu.memory_space<vmem>> -> memref<1x128xi32, #tpu.memory_space<vmem>>
      %dma_start3A_22 = tpu.memref_squeeze %dma_start3A_21 : memref<1x128xi32, #tpu.memory_space<vmem>> -> memref<128xi32, #tpu.memory_space<vmem>>
      %dma_start3A_23 = arith.constant 0 : i32
      %dma_start3A_24 = arith.constant 0 : i32
      %dma_start3A_25 = tpu.memref_slice %arg2[%dma_start3A_23, %dma_start3A_24] : memref<20000x80xf32, #tpu.memory_space<hbm>> -> memref<20000x80xf32, #tpu.memory_space<hbm>>
      tpu.enqueue_indirect_dma source(%dma_start3A_25 : memref<20000x80xf32, #tpu.memory_space<hbm>>) target(%arg10 : memref<128x80xf32, #tpu.memory_space<vmem>>) offsets(%dma_start3A_22 : memref<128xi32, #tpu.memory_space<vmem>>) semaphore(%arg13 : memref<!tpu.dma_semaphore, #tpu.memory_space<semaphore_mem>>)
      %dma_wait3A = arith.constant 0 : i32
      %dma_wait3A_26 = tpu.memref_slice %arg7[%add3A_12, %dma_wait3A] : memref<160x128xi32, #tpu.memory_space<vmem>> -> memref<1x128xi32, #tpu.memory_space<vmem>>
      %dma_wait3A_27 = tpu.memref_squeeze %dma_wait3A_26 : memref<1x128xi32, #tpu.memory_space<vmem>> -> memref<128xi32, #tpu.memory_space<vmem>>
      %dma_wait3A_28 = arith.constant 0 : i32
      %dma_wait3A_29 = arith.constant 0 : i32
      %dma_wait3A_30 = tpu.memref_slice %arg2[%dma_wait3A_28, %dma_wait3A_29] : memref<20000x80xf32, #tpu.memory_space<hbm>> -> memref<20000x80xf32, #tpu.memory_space<hbm>>
      tpu.wait_indirect_dma semaphore(%arg12 : memref<!tpu.dma_semaphore, #tpu.memory_space<semaphore_mem>>) src(%dma_wait3A_30 : memref<20000x80xf32, #tpu.memory_space<hbm>>) dst(%arg9 : memref<128x80xf32, #tpu.memory_space<vmem>>)
      "tpu.region"() ({
        %run_scoped3A = tpu.sem_alloc : memref<!tpu.dma_semaphore, #tpu.memory_space<semaphore_mem>>
        %dma_start3A_39 = arith.constant 0 : i32
        %dma_start3A_40 = tpu.memref_slice %arg8[%add3A_12, %dma_start3A_39] : memref<160x128xi32, #tpu.memory_space<vmem>> -> memref<1x128xi32, #tpu.memory_space<vmem>>
        %dma_start3A_41 = tpu.memref_squeeze %dma_start3A_40 : memref<1x128xi32, #tpu.memory_space<vmem>> -> memref<128xi32, #tpu.memory_space<vmem>>
        %dma_start3A_42 = arith.constant 0 : i32
        %dma_start3A_43 = arith.constant 0 : i32
        %dma_start3A_44 = tpu.memref_slice %arg11[%dma_start3A_42, %dma_start3A_43] : memref<10240x80xf32, #tpu.memory_space<vmem_shared>> -> memref<10240x80xf32, #tpu.memory_space<vmem_shared>>
        tpu.enqueue_indirect_dma source(%arg9 : memref<128x80xf32, #tpu.memory_space<vmem>>) target(%dma_start3A_44 : memref<10240x80xf32, #tpu.memory_space<vmem_shared>>) offsets(%dma_start3A_41 : memref<128xi32, #tpu.memory_space<vmem>>) semaphore(%run_scoped3A : memref<!tpu.dma_semaphore, #tpu.memory_space<semaphore_mem>>) {add = true}
        %dma_wait3A_45 = arith.constant 0 : i32
        %dma_wait3A_46 = tpu.memref_slice %arg8[%add3A_12, %dma_wait3A_45] : memref<160x128xi32, #tpu.memory_space<vmem>> -> memref<1x128xi32, #tpu.memory_space<vmem>>
        %dma_wait3A_47 = tpu.memref_squeeze %dma_wait3A_46 : memref<1x128xi32, #tpu.memory_space<vmem>> -> memref<128xi32, #tpu.memory_space<vmem>>
        %dma_wait3A_48 = arith.constant 0 : i32
        %dma_wait3A_49 = arith.constant 0 : i32
        %dma_wait3A_50 = tpu.memref_slice %arg11[%dma_wait3A_48, %dma_wait3A_49] : memref<10240x80xf32, #tpu.memory_space<vmem_shared>> -> memref<10240x80xf32, #tpu.memory_space<vmem_shared>>
        tpu.wait_indirect_dma semaphore(%run_scoped3A : memref<!tpu.dma_semaphore, #tpu.memory_space<semaphore_mem>>) src(%arg9 : memref<128x80xf32, #tpu.memory_space<vmem>>) dst(%dma_wait3A_50 : memref<10240x80xf32, #tpu.memory_space<vmem_shared>>)
        tpu.yield
      }) : () -> ()
      %dma_wait3A_31 = arith.constant 0 : i32
      %dma_wait3A_32 = tpu.memref_slice %arg7[%add3A_19, %dma_wait3A_31] : memref<160x128xi32, #tpu.memory_space<vmem>> -> memref<1x128xi32, #tpu.memory_space<vmem>>
      %dma_wait3A_33 = tpu.memref_squeeze %dma_wait3A_32 : memref<1x128xi32, #tpu.memory_space<vmem>> -> memref<128xi32, #tpu.memory_space<vmem>>
      %dma_wait3A_34 = arith.constant 0 : i32
      %dma_wait3A_35 = arith.constant 0 : i32
      %dma_wait3A_36 = tpu.memref_slice %arg2[%dma_wait3A_34, %dma_wait3A_35] : memref<20000x80xf32, #tpu.memory_space<hbm>> -> memref<20000x80xf32, #tpu.memory_space<hbm>>
      tpu.wait_indirect_dma semaphore(%arg13 : memref<!tpu.dma_semaphore, #tpu.memory_space<semaphore_mem>>) src(%dma_wait3A_36 : memref<20000x80xf32, #tpu.memory_space<hbm>>) dst(%arg10 : memref<128x80xf32, #tpu.memory_space<vmem>>)
      %add3A_37 = arith.constant 1 : i32
      %add3A_38 = arith.addi %add3A_12, %add3A_37 : i32
      "tpu.region"() ({
        %run_scoped3A = tpu.sem_alloc : memref<!tpu.dma_semaphore, #tpu.memory_space<semaphore_mem>>
        %dma_start3A_39 = arith.constant 0 : i32
        %dma_start3A_40 = tpu.memref_slice %arg8[%add3A_38, %dma_start3A_39] : memref<160x128xi32, #tpu.memory_space<vmem>> -> memref<1x128xi32, #tpu.memory_space<vmem>>
        %dma_start3A_41 = tpu.memref_squeeze %dma_start3A_40 : memref<1x128xi32, #tpu.memory_space<vmem>> -> memref<128xi32, #tpu.memory_space<vmem>>
        %dma_start3A_42 = arith.constant 0 : i32
        %dma_start3A_43 = arith.constant 0 : i32
        %dma_start3A_44 = tpu.memref_slice %arg11[%dma_start3A_42, %dma_start3A_43] : memref<10240x80xf32, #tpu.memory_space<vmem_shared>> -> memref<10240x80xf32, #tpu.memory_space<vmem_shared>>
        tpu.enqueue_indirect_dma source(%arg10 : memref<128x80xf32, #tpu.memory_space<vmem>>) target(%dma_start3A_44 : memref<10240x80xf32, #tpu.memory_space<vmem_shared>>) offsets(%dma_start3A_41 : memref<128xi32, #tpu.memory_space<vmem>>) semaphore(%run_scoped3A : memref<!tpu.dma_semaphore, #tpu.memory_space<semaphore_mem>>) {add = true}
        %dma_wait3A_45 = arith.constant 0 : i32
        %dma_wait3A_46 = tpu.memref_slice %arg8[%add3A_38, %dma_wait3A_45] : memref<160x128xi32, #tpu.memory_space<vmem>> -> memref<1x128xi32, #tpu.memory_space<vmem>>
        %dma_wait3A_47 = tpu.memref_squeeze %dma_wait3A_46 : memref<1x128xi32, #tpu.memory_space<vmem>> -> memref<128xi32, #tpu.memory_space<vmem>>
        %dma_wait3A_48 = arith.constant 0 : i32
        %dma_wait3A_49 = arith.constant 0 : i32
        %dma_wait3A_50 = tpu.memref_slice %arg11[%dma_wait3A_48, %dma_wait3A_49] : memref<10240x80xf32, #tpu.memory_space<vmem_shared>> -> memref<10240x80xf32, #tpu.memory_space<vmem_shared>>
        tpu.wait_indirect_dma semaphore(%run_scoped3A : memref<!tpu.dma_semaphore, #tpu.memory_space<semaphore_mem>>) src(%arg10 : memref<128x80xf32, #tpu.memory_space<vmem>>) dst(%dma_wait3A_50 : memref<10240x80xf32, #tpu.memory_space<vmem_shared>>)
        tpu.yield
      }) : () -> ()
    }
    %scan3A_6 = arith.constant 80 : i32
    %barrier3A_7 = arith.constant 0 : index
    tpu.barrier barrier_id(%barrier3A_7)
    "tpu.region"() ({
      %run_scoped3A = tpu.sem_alloc : memref<!tpu.dma_semaphore, #tpu.memory_space<semaphore_mem>>
      %dma_start3A = arith.constant 0 : i32
      %dma_start3A_8 = arith.constant 0 : i32
      %dma_start3A_9 = tpu.memref_slice %arg6[%arg0, %dma_start3A, %dma_start3A_8] : memref<2x10240x80xf32, #tpu.memory_space<hbm>> -> memref<1x10240x80xf32, #tpu.memory_space<hbm>>
      %dma_start3A_10 = tpu.memref_squeeze %dma_start3A_9 : memref<1x10240x80xf32, #tpu.memory_space<hbm>> -> memref<10240x80xf32, #tpu.memory_space<hbm>>
      %dma_start3A_11 = arith.constant 0 : i32
      %dma_start3A_12 = tpu.memref_slice %dma_start3A_10[%mul3A_2, %dma_start3A_11] : memref<10240x80xf32, #tpu.memory_space<hbm>> -> memref<640x80xf32, #tpu.memory_space<hbm>>
      %dma_start3A_13 = arith.constant 0 : i32
      %dma_start3A_14 = tpu.memref_slice %arg11[%mul3A_2, %dma_start3A_13] : memref<10240x80xf32, #tpu.memory_space<vmem_shared>> -> memref<640x80xf32, #tpu.memory_space<vmem_shared>>
      tpu.enqueue_dma source(%dma_start3A_14 : memref<640x80xf32, #tpu.memory_space<vmem_shared>>) target(%dma_start3A_12 : memref<640x80xf32, #tpu.memory_space<hbm>>) target_semaphore(%run_scoped3A : memref<!tpu.dma_semaphore, #tpu.memory_space<semaphore_mem>>)
      %dma_wait3A = arith.constant 0 : i32
      %dma_wait3A_15 = arith.constant 0 : i32
      %dma_wait3A_16 = tpu.memref_slice %arg6[%arg0, %dma_wait3A, %dma_wait3A_15] : memref<2x10240x80xf32, #tpu.memory_space<hbm>> -> memref<1x10240x80xf32, #tpu.memory_space<hbm>>
      %dma_wait3A_17 = tpu.memref_squeeze %dma_wait3A_16 : memref<1x10240x80xf32, #tpu.memory_space<hbm>> -> memref<10240x80xf32, #tpu.memory_space<hbm>>
      %dma_wait3A_18 = arith.constant 0 : i32
      %dma_wait3A_19 = tpu.memref_slice %dma_wait3A_17[%mul3A_2, %dma_wait3A_18] : memref<10240x80xf32, #tpu.memory_space<hbm>> -> memref<640x80xf32, #tpu.memory_space<hbm>>
      %dma_wait3A_20 = arith.constant 0 : i32
      %dma_wait3A_21 = tpu.memref_slice %arg11[%mul3A_2, %dma_wait3A_20] : memref<10240x80xf32, #tpu.memory_space<vmem_shared>> -> memref<640x80xf32, #tpu.memory_space<vmem_shared>>
      tpu.wait_dma2 semaphore(%run_scoped3A : memref<!tpu.dma_semaphore, #tpu.memory_space<semaphore_mem>>) src(%dma_wait3A_21 : memref<640x80xf32, #tpu.memory_space<vmem_shared>>) dst(%dma_wait3A_19 : memref<640x80xf32, #tpu.memory_space<hbm>>)
      tpu.yield
    }) : () -> ()
    return
  }
}

#map = affine_map<(d0, d1) -> (0, 0)>
#map1 = affine_map<(d0, d1) -> (0, 0, 0)>
module attributes {stable_mosaic.version = 14 : i64} {
  func.func @_sc_seg_body(%arg0: i32, %arg1: i32, %arg2: memref<20000x80xf32, #tpu.memory_space<hbm>>, %arg3: memref<32x160x128xi32, #tpu.memory_space<hbm>>, %arg4: memref<16x160x128xi32, #tpu.memory_space<hbm>>, %arg5: memref<10240x80xf32, #tpu.memory_space<hbm>>, %arg6: memref<2x10240x80xf32, #tpu.memory_space<hbm>>, %arg7: memref<160x128xi32, #tpu.memory_space<vmem>>, %arg8: memref<160x128xi32, #tpu.memory_space<vmem>>, %arg9: memref<128x80xf32, #tpu.memory_space<vmem>>, %arg10: memref<128x80xf32, #tpu.memory_space<vmem>>, %arg11: memref<10240x80xf32, #tpu.memory_space<vmem_shared>>, %arg12: memref<!tpu.dma_semaphore, #tpu.memory_space<semaphore_mem>>, %arg13: memref<!tpu.dma_semaphore, #tpu.memory_space<semaphore_mem>>) attributes {dimension_semantics = [#tpu.dimension_semantics<core_parallel>, #tpu.dimension_semantics<subcore_parallel>], iteration_bounds = array<i64: 2, 16>, scalar_prefetch = 0 : i64, scratch_operands = 7 : i64, tpu.core_type = #tpu.core_type<sc_vector_subcore>, window_params = [{transform_indices = #map}, {transform_indices = #map1}, {transform_indices = #map1}, {transform_indices = #map}, {transform_indices = #map1}]} {
    %mul3A = arith.constant 16 : i32
    %mul3A_0 = arith.muli %arg0, %mul3A : i32
    %add3A = arith.addi %mul3A_0, %arg1 : i32
    "tpu.region"() ({
      %run_scoped3A = tpu.sem_alloc : memref<!tpu.dma_semaphore, #tpu.memory_space<semaphore_mem>>
      %dma_start3A = arith.constant 0 : i32
      %dma_start3A_8 = arith.constant 0 : i32
      %dma_start3A_9 = tpu.memref_slice %arg3[%add3A, %dma_start3A, %dma_start3A_8] : memref<32x160x128xi32, #tpu.memory_space<hbm>> -> memref<1x160x128xi32, #tpu.memory_space<hbm>>
      %dma_start3A_10 = tpu.memref_squeeze %dma_start3A_9 : memref<1x160x128xi32, #tpu.memory_space<hbm>> -> memref<160x128xi32, #tpu.memory_space<hbm>>
      %dma_start3A_11 = arith.constant 0 : i32
      %dma_start3A_12 = arith.constant 0 : i32
      %dma_start3A_13 = tpu.memref_slice %arg3[%add3A, %dma_start3A_11, %dma_start3A_12] : memref<32x160x128xi32, #tpu.memory_space<hbm>> -> memref<1x160x128xi32, #tpu.memory_space<hbm>>
      %dma_start3A_14 = tpu.memref_squeeze %dma_start3A_13 : memref<1x160x128xi32, #tpu.memory_space<hbm>> -> memref<160x128xi32, #tpu.memory_space<hbm>>
      tpu.enqueue_dma source(%dma_start3A_14 : memref<160x128xi32, #tpu.memory_space<hbm>>) target(%arg7 : memref<160x128xi32, #tpu.memory_space<vmem>>) target_semaphore(%run_scoped3A : memref<!tpu.dma_semaphore, #tpu.memory_space<semaphore_mem>>)
      %dma_wait3A = arith.constant 0 : i32
      %dma_wait3A_15 = arith.constant 0 : i32
      %dma_wait3A_16 = tpu.memref_slice %arg3[%add3A, %dma_wait3A, %dma_wait3A_15] : memref<32x160x128xi32, #tpu.memory_space<hbm>> -> memref<1x160x128xi32, #tpu.memory_space<hbm>>
      %dma_wait3A_17 = tpu.memref_squeeze %dma_wait3A_16 : memref<1x160x128xi32, #tpu.memory_space<hbm>> -> memref<160x128xi32, #tpu.memory_space<hbm>>
      %dma_wait3A_18 = arith.constant 0 : i32
      %dma_wait3A_19 = arith.constant 0 : i32
      %dma_wait3A_20 = tpu.memref_slice %arg3[%add3A, %dma_wait3A_18, %dma_wait3A_19] : memref<32x160x128xi32, #tpu.memory_space<hbm>> -> memref<1x160x128xi32, #tpu.memory_space<hbm>>
      %dma_wait3A_21 = tpu.memref_squeeze %dma_wait3A_20 : memref<1x160x128xi32, #tpu.memory_space<hbm>> -> memref<160x128xi32, #tpu.memory_space<hbm>>
      tpu.wait_dma2 semaphore(%run_scoped3A : memref<!tpu.dma_semaphore, #tpu.memory_space<semaphore_mem>>) src(%dma_wait3A_21 : memref<160x128xi32, #tpu.memory_space<hbm>>) dst(%arg7 : memref<160x128xi32, #tpu.memory_space<vmem>>)
      tpu.yield
    }) : () -> ()
    "tpu.region"() ({
      %run_scoped3A = tpu.sem_alloc : memref<!tpu.dma_semaphore, #tpu.memory_space<semaphore_mem>>
      %dma_start3A = arith.constant 0 : i32
      %dma_start3A_8 = arith.constant 0 : i32
      %dma_start3A_9 = tpu.memref_slice %arg4[%arg1, %dma_start3A, %dma_start3A_8] : memref<16x160x128xi32, #tpu.memory_space<hbm>> -> memref<1x160x128xi32, #tpu.memory_space<hbm>>
      %dma_start3A_10 = tpu.memref_squeeze %dma_start3A_9 : memref<1x160x128xi32, #tpu.memory_space<hbm>> -> memref<160x128xi32, #tpu.memory_space<hbm>>
      %dma_start3A_11 = arith.constant 0 : i32
      %dma_start3A_12 = arith.constant 0 : i32
      %dma_start3A_13 = tpu.memref_slice %arg4[%arg1, %dma_start3A_11, %dma_start3A_12] : memref<16x160x128xi32, #tpu.memory_space<hbm>> -> memref<1x160x128xi32, #tpu.memory_space<hbm>>
      %dma_start3A_14 = tpu.memref_squeeze %dma_start3A_13 : memref<1x160x128xi32, #tpu.memory_space<hbm>> -> memref<160x128xi32, #tpu.memory_space<hbm>>
      tpu.enqueue_dma source(%dma_start3A_14 : memref<160x128xi32, #tpu.memory_space<hbm>>) target(%arg8 : memref<160x128xi32, #tpu.memory_space<vmem>>) target_semaphore(%run_scoped3A : memref<!tpu.dma_semaphore, #tpu.memory_space<semaphore_mem>>)
      %dma_wait3A = arith.constant 0 : i32
      %dma_wait3A_15 = arith.constant 0 : i32
      %dma_wait3A_16 = tpu.memref_slice %arg4[%arg1, %dma_wait3A, %dma_wait3A_15] : memref<16x160x128xi32, #tpu.memory_space<hbm>> -> memref<1x160x128xi32, #tpu.memory_space<hbm>>
      %dma_wait3A_17 = tpu.memref_squeeze %dma_wait3A_16 : memref<1x160x128xi32, #tpu.memory_space<hbm>> -> memref<160x128xi32, #tpu.memory_space<hbm>>
      %dma_wait3A_18 = arith.constant 0 : i32
      %dma_wait3A_19 = arith.constant 0 : i32
      %dma_wait3A_20 = tpu.memref_slice %arg4[%arg1, %dma_wait3A_18, %dma_wait3A_19] : memref<16x160x128xi32, #tpu.memory_space<hbm>> -> memref<1x160x128xi32, #tpu.memory_space<hbm>>
      %dma_wait3A_21 = tpu.memref_squeeze %dma_wait3A_20 : memref<1x160x128xi32, #tpu.memory_space<hbm>> -> memref<160x128xi32, #tpu.memory_space<hbm>>
      tpu.wait_dma2 semaphore(%run_scoped3A : memref<!tpu.dma_semaphore, #tpu.memory_space<semaphore_mem>>) src(%dma_wait3A_21 : memref<160x128xi32, #tpu.memory_space<hbm>>) dst(%arg8 : memref<160x128xi32, #tpu.memory_space<vmem>>)
      tpu.yield
    }) : () -> ()
    %mul3A_1 = arith.constant 640 : i32
    %mul3A_2 = arith.muli %arg1, %mul3A_1 : i32
    "tpu.region"() ({
      %run_scoped3A = tpu.sem_alloc : memref<!tpu.dma_semaphore, #tpu.memory_space<semaphore_mem>>
      %dma_start3A = arith.constant 0 : i32
      %dma_start3A_8 = tpu.memref_slice %arg11[%mul3A_2, %dma_start3A] : memref<10240x80xf32, #tpu.memory_space<vmem_shared>> -> memref<640x80xf32, #tpu.memory_space<vmem_shared>>
      %dma_start3A_9 = arith.constant 0 : i32
      %dma_start3A_10 = tpu.memref_slice %arg5[%mul3A_2, %dma_start3A_9] : memref<10240x80xf32, #tpu.memory_space<hbm>> -> memref<640x80xf32, #tpu.memory_space<hbm>>
      tpu.enqueue_dma source(%dma_start3A_10 : memref<640x80xf32, #tpu.memory_space<hbm>>) target(%dma_start3A_8 : memref<640x80xf32, #tpu.memory_space<vmem_shared>>) target_semaphore(%run_scoped3A : memref<!tpu.dma_semaphore, #tpu.memory_space<semaphore_mem>>)
      %dma_wait3A = arith.constant 0 : i32
      %dma_wait3A_11 = tpu.memref_slice %arg11[%mul3A_2, %dma_wait3A] : memref<10240x80xf32, #tpu.memory_space<vmem_shared>> -> memref<640x80xf32, #tpu.memory_space<vmem_shared>>
      %dma_wait3A_12 = arith.constant 0 : i32
      %dma_wait3A_13 = tpu.memref_slice %arg5[%mul3A_2, %dma_wait3A_12] : memref<10240x80xf32, #tpu.memory_space<hbm>> -> memref<640x80xf32, #tpu.memory_space<hbm>>
      tpu.wait_dma2 semaphore(%run_scoped3A : memref<!tpu.dma_semaphore, #tpu.memory_space<semaphore_mem>>) src(%dma_wait3A_13 : memref<640x80xf32, #tpu.memory_space<hbm>>) dst(%dma_wait3A_11 : memref<640x80xf32, #tpu.memory_space<vmem_shared>>)
      tpu.yield
    }) : () -> ()
    %barrier3A = arith.constant 0 : index
    tpu.barrier barrier_id(%barrier3A)
    %scan3A = arith.constant 0 : i32
    %scan3A_3 = arith.constant 80 : i32
    %scan3A_4 = arith.addi %scan3A, %scan3A_3 : i32
    %scan3A_5 = arith.constant 1 : i32
    scf.for %scan3A_8 = %scan3A to %scan3A_4 step %scan3A_5  : i32 {
      %mul3A_9 = arith.constant 2 : i32
      %mul3A_10 = arith.muli %scan3A_8, %mul3A_9 : i32
      %add3A_11 = arith.constant 0 : i32
      %add3A_12 = arith.addi %add3A_11, %mul3A_10 : i32
      %dma_start3A = arith.constant 0 : i32
      %dma_start3A_13 = tpu.memref_slice %arg7[%add3A_12, %dma_start3A] : memref<160x128xi32, #tpu.memory_space<vmem>> -> memref<1x128xi32, #tpu.memory_space<vmem>>
      %dma_start3A_14 = tpu.memref_squeeze %dma_start3A_13 : memref<1x128xi32, #tpu.memory_space<vmem>> -> memref<128xi32, #tpu.memory_space<vmem>>
      %dma_start3A_15 = arith.constant 0 : i32
      %dma_start3A_16 = arith.constant 0 : i32
      %dma_start3A_17 = tpu.memref_slice %arg2[%dma_start3A_15, %dma_start3A_16] : memref<20000x80xf32, #tpu.memory_space<hbm>> -> memref<20000x80xf32, #tpu.memory_space<hbm>>
      tpu.enqueue_indirect_dma source(%dma_start3A_17 : memref<20000x80xf32, #tpu.memory_space<hbm>>) target(%arg9 : memref<128x80xf32, #tpu.memory_space<vmem>>) offsets(%dma_start3A_14 : memref<128xi32, #tpu.memory_space<vmem>>) semaphore(%arg12 : memref<!tpu.dma_semaphore, #tpu.memory_space<semaphore_mem>>)
      %add3A_18 = arith.constant 1 : i32
      %add3A_19 = arith.addi %add3A_12, %add3A_18 : i32
      %dma_start3A_20 = arith.constant 0 : i32
      %dma_start3A_21 = tpu.memref_slice %arg7[%add3A_19, %dma_start3A_20] : memref<160x128xi32, #tpu.memory_space<vmem>> -> memref<1x128xi32, #tpu.memory_space<vmem>>
      %dma_start3A_22 = tpu.memref_squeeze %dma_start3A_21 : memref<1x128xi32, #tpu.memory_space<vmem>> -> memref<128xi32, #tpu.memory_space<vmem>>
      %dma_start3A_23 = arith.constant 0 : i32
      %dma_start3A_24 = arith.constant 0 : i32
      %dma_start3A_25 = tpu.memref_slice %arg2[%dma_start3A_23, %dma_start3A_24] : memref<20000x80xf32, #tpu.memory_space<hbm>> -> memref<20000x80xf32, #tpu.memory_space<hbm>>
      tpu.enqueue_indirect_dma source(%dma_start3A_25 : memref<20000x80xf32, #tpu.memory_space<hbm>>) target(%arg10 : memref<128x80xf32, #tpu.memory_space<vmem>>) offsets(%dma_start3A_22 : memref<128xi32, #tpu.memory_space<vmem>>) semaphore(%arg13 : memref<!tpu.dma_semaphore, #tpu.memory_space<semaphore_mem>>)
      %dma_wait3A = arith.constant 0 : i32
      %dma_wait3A_26 = tpu.memref_slice %arg7[%add3A_12, %dma_wait3A] : memref<160x128xi32, #tpu.memory_space<vmem>> -> memref<1x128xi32, #tpu.memory_space<vmem>>
      %dma_wait3A_27 = tpu.memref_squeeze %dma_wait3A_26 : memref<1x128xi32, #tpu.memory_space<vmem>> -> memref<128xi32, #tpu.memory_space<vmem>>
      %dma_wait3A_28 = arith.constant 0 : i32
      %dma_wait3A_29 = arith.constant 0 : i32
      %dma_wait3A_30 = tpu.memref_slice %arg2[%dma_wait3A_28, %dma_wait3A_29] : memref<20000x80xf32, #tpu.memory_space<hbm>> -> memref<20000x80xf32, #tpu.memory_space<hbm>>
      tpu.wait_indirect_dma semaphore(%arg12 : memref<!tpu.dma_semaphore, #tpu.memory_space<semaphore_mem>>) src(%dma_wait3A_30 : memref<20000x80xf32, #tpu.memory_space<hbm>>) dst(%arg9 : memref<128x80xf32, #tpu.memory_space<vmem>>)
      "tpu.region"() ({
        %run_scoped3A = tpu.sem_alloc : memref<!tpu.dma_semaphore, #tpu.memory_space<semaphore_mem>>
        %dma_start3A_39 = arith.constant 0 : i32
        %dma_start3A_40 = tpu.memref_slice %arg8[%add3A_12, %dma_start3A_39] : memref<160x128xi32, #tpu.memory_space<vmem>> -> memref<1x128xi32, #tpu.memory_space<vmem>>
        %dma_start3A_41 = tpu.memref_squeeze %dma_start3A_40 : memref<1x128xi32, #tpu.memory_space<vmem>> -> memref<128xi32, #tpu.memory_space<vmem>>
        %dma_start3A_42 = arith.constant 0 : i32
        %dma_start3A_43 = arith.constant 0 : i32
        %dma_start3A_44 = tpu.memref_slice %arg11[%dma_start3A_42, %dma_start3A_43] : memref<10240x80xf32, #tpu.memory_space<vmem_shared>> -> memref<10240x80xf32, #tpu.memory_space<vmem_shared>>
        tpu.enqueue_indirect_dma source(%arg9 : memref<128x80xf32, #tpu.memory_space<vmem>>) target(%dma_start3A_44 : memref<10240x80xf32, #tpu.memory_space<vmem_shared>>) offsets(%dma_start3A_41 : memref<128xi32, #tpu.memory_space<vmem>>) semaphore(%run_scoped3A : memref<!tpu.dma_semaphore, #tpu.memory_space<semaphore_mem>>) {add = true}
        %dma_wait3A_45 = arith.constant 0 : i32
        %dma_wait3A_46 = tpu.memref_slice %arg8[%add3A_12, %dma_wait3A_45] : memref<160x128xi32, #tpu.memory_space<vmem>> -> memref<1x128xi32, #tpu.memory_space<vmem>>
        %dma_wait3A_47 = tpu.memref_squeeze %dma_wait3A_46 : memref<1x128xi32, #tpu.memory_space<vmem>> -> memref<128xi32, #tpu.memory_space<vmem>>
        %dma_wait3A_48 = arith.constant 0 : i32
        %dma_wait3A_49 = arith.constant 0 : i32
        %dma_wait3A_50 = tpu.memref_slice %arg11[%dma_wait3A_48, %dma_wait3A_49] : memref<10240x80xf32, #tpu.memory_space<vmem_shared>> -> memref<10240x80xf32, #tpu.memory_space<vmem_shared>>
        tpu.wait_indirect_dma semaphore(%run_scoped3A : memref<!tpu.dma_semaphore, #tpu.memory_space<semaphore_mem>>) src(%arg9 : memref<128x80xf32, #tpu.memory_space<vmem>>) dst(%dma_wait3A_50 : memref<10240x80xf32, #tpu.memory_space<vmem_shared>>)
        tpu.yield
      }) : () -> ()
      %dma_wait3A_31 = arith.constant 0 : i32
      %dma_wait3A_32 = tpu.memref_slice %arg7[%add3A_19, %dma_wait3A_31] : memref<160x128xi32, #tpu.memory_space<vmem>> -> memref<1x128xi32, #tpu.memory_space<vmem>>
      %dma_wait3A_33 = tpu.memref_squeeze %dma_wait3A_32 : memref<1x128xi32, #tpu.memory_space<vmem>> -> memref<128xi32, #tpu.memory_space<vmem>>
      %dma_wait3A_34 = arith.constant 0 : i32
      %dma_wait3A_35 = arith.constant 0 : i32
      %dma_wait3A_36 = tpu.memref_slice %arg2[%dma_wait3A_34, %dma_wait3A_35] : memref<20000x80xf32, #tpu.memory_space<hbm>> -> memref<20000x80xf32, #tpu.memory_space<hbm>>
      tpu.wait_indirect_dma semaphore(%arg13 : memref<!tpu.dma_semaphore, #tpu.memory_space<semaphore_mem>>) src(%dma_wait3A_36 : memref<20000x80xf32, #tpu.memory_space<hbm>>) dst(%arg10 : memref<128x80xf32, #tpu.memory_space<vmem>>)
      %add3A_37 = arith.constant 1 : i32
      %add3A_38 = arith.addi %add3A_12, %add3A_37 : i32
      "tpu.region"() ({
        %run_scoped3A = tpu.sem_alloc : memref<!tpu.dma_semaphore, #tpu.memory_space<semaphore_mem>>
        %dma_start3A_39 = arith.constant 0 : i32
        %dma_start3A_40 = tpu.memref_slice %arg8[%add3A_38, %dma_start3A_39] : memref<160x128xi32, #tpu.memory_space<vmem>> -> memref<1x128xi32, #tpu.memory_space<vmem>>
        %dma_start3A_41 = tpu.memref_squeeze %dma_start3A_40 : memref<1x128xi32, #tpu.memory_space<vmem>> -> memref<128xi32, #tpu.memory_space<vmem>>
        %dma_start3A_42 = arith.constant 0 : i32
        %dma_start3A_43 = arith.constant 0 : i32
        %dma_start3A_44 = tpu.memref_slice %arg11[%dma_start3A_42, %dma_start3A_43] : memref<10240x80xf32, #tpu.memory_space<vmem_shared>> -> memref<10240x80xf32, #tpu.memory_space<vmem_shared>>
        tpu.enqueue_indirect_dma source(%arg10 : memref<128x80xf32, #tpu.memory_space<vmem>>) target(%dma_start3A_44 : memref<10240x80xf32, #tpu.memory_space<vmem_shared>>) offsets(%dma_start3A_41 : memref<128xi32, #tpu.memory_space<vmem>>) semaphore(%run_scoped3A : memref<!tpu.dma_semaphore, #tpu.memory_space<semaphore_mem>>) {add = true}
        %dma_wait3A_45 = arith.constant 0 : i32
        %dma_wait3A_46 = tpu.memref_slice %arg8[%add3A_38, %dma_wait3A_45] : memref<160x128xi32, #tpu.memory_space<vmem>> -> memref<1x128xi32, #tpu.memory_space<vmem>>
        %dma_wait3A_47 = tpu.memref_squeeze %dma_wait3A_46 : memref<1x128xi32, #tpu.memory_space<vmem>> -> memref<128xi32, #tpu.memory_space<vmem>>
        %dma_wait3A_48 = arith.constant 0 : i32
        %dma_wait3A_49 = arith.constant 0 : i32
        %dma_wait3A_50 = tpu.memref_slice %arg11[%dma_wait3A_48, %dma_wait3A_49] : memref<10240x80xf32, #tpu.memory_space<vmem_shared>> -> memref<10240x80xf32, #tpu.memory_space<vmem_shared>>
        tpu.wait_indirect_dma semaphore(%run_scoped3A : memref<!tpu.dma_semaphore, #tpu.memory_space<semaphore_mem>>) src(%arg10 : memref<128x80xf32, #tpu.memory_space<vmem>>) dst(%dma_wait3A_50 : memref<10240x80xf32, #tpu.memory_space<vmem_shared>>)
        tpu.yield
      }) : () -> ()
    }
    %scan3A_6 = arith.constant 80 : i32
    %barrier3A_7 = arith.constant 0 : index
    tpu.barrier barrier_id(%barrier3A_7)
    "tpu.region"() ({
      %run_scoped3A = tpu.sem_alloc : memref<!tpu.dma_semaphore, #tpu.memory_space<semaphore_mem>>
      %dma_start3A = arith.constant 0 : i32
      %dma_start3A_8 = arith.constant 0 : i32
      %dma_start3A_9 = tpu.memref_slice %arg6[%arg0, %dma_start3A, %dma_start3A_8] : memref<2x10240x80xf32, #tpu.memory_space<hbm>> -> memref<1x10240x80xf32, #tpu.memory_space<hbm>>
      %dma_start3A_10 = tpu.memref_squeeze %dma_start3A_9 : memref<1x10240x80xf32, #tpu.memory_space<hbm>> -> memref<10240x80xf32, #tpu.memory_space<hbm>>
      %dma_start3A_11 = arith.constant 0 : i32
      %dma_start3A_12 = tpu.memref_slice %dma_start3A_10[%mul3A_2, %dma_start3A_11] : memref<10240x80xf32, #tpu.memory_space<hbm>> -> memref<640x80xf32, #tpu.memory_space<hbm>>
      %dma_start3A_13 = arith.constant 0 : i32
      %dma_start3A_14 = tpu.memref_slice %arg11[%mul3A_2, %dma_start3A_13] : memref<10240x80xf32, #tpu.memory_space<vmem_shared>> -> memref<640x80xf32, #tpu.memory_space<vmem_shared>>
      tpu.enqueue_dma source(%dma_start3A_14 : memref<640x80xf32, #tpu.memory_space<vmem_shared>>) target(%dma_start3A_12 : memref<640x80xf32, #tpu.memory_space<hbm>>) target_semaphore(%run_scoped3A : memref<!tpu.dma_semaphore, #tpu.memory_space<semaphore_mem>>)
      %dma_wait3A = arith.constant 0 : i32
      %dma_wait3A_15 = arith.constant 0 : i32
      %dma_wait3A_16 = tpu.memref_slice %arg6[%arg0, %dma_wait3A, %dma_wait3A_15] : memref<2x10240x80xf32, #tpu.memory_space<hbm>> -> memref<1x10240x80xf32, #tpu.memory_space<hbm>>
      %dma_wait3A_17 = tpu.memref_squeeze %dma_wait3A_16 : memref<1x10240x80xf32, #tpu.memory_space<hbm>> -> memref<10240x80xf32, #tpu.memory_space<hbm>>
      %dma_wait3A_18 = arith.constant 0 : i32
      %dma_wait3A_19 = tpu.memref_slice %dma_wait3A_17[%mul3A_2, %dma_wait3A_18] : memref<10240x80xf32, #tpu.memory_space<hbm>> -> memref<640x80xf32, #tpu.memory_space<hbm>>
      %dma_wait3A_20 = arith.constant 0 : i32
      %dma_wait3A_21 = tpu.memref_slice %arg11[%mul3A_2, %dma_wait3A_20] : memref<10240x80xf32, #tpu.memory_space<vmem_shared>> -> memref<640x80xf32, #tpu.memory_space<vmem_shared>>
      tpu.wait_dma2 semaphore(%run_scoped3A : memref<!tpu.dma_semaphore, #tpu.memory_space<semaphore_mem>>) src(%dma_wait3A_21 : memref<640x80xf32, #tpu.memory_space<vmem_shared>>) dst(%dma_wait3A_19 : memref<640x80xf32, #tpu.memory_space<hbm>>)
      tpu.yield
    }) : () -> ()
    return
  }
}

module attributes {stable_mosaic.version = 14 : i64} {
  func.func @_pre_body(%arg0: i32, %arg1: memref<400x128xf32, #tpu.memory_space<vmem>>, %arg2: memref<128x128xf32, #tpu.memory_space<vmem>>, %arg3: memref<128x128xf32, #tpu.memory_space<vmem>>, %arg4: memref<400x80xf32, #tpu.memory_space<vmem>>, %arg5: memref<400x80xf32, #tpu.memory_space<vmem>>, %arg6: memref<400x128xf32, #tpu.memory_space<vmem>>) attributes {dimension_semantics = [#tpu.dimension_semantics<arbitrary>], iteration_bounds = array<i64: 25>, scalar_prefetch = 0 : i64, scratch_operands = 0 : i64, tpu.core_type = #tpu.core_type<tc>, window_params = [{transform_indices = @transform_0, window_bounds = array<i64: 400, 128>}, {pipeline_mode = #tpu.pipeline_mode<synchronous>, transform_indices = @transform_1, window_bounds = array<i64: 128, 128>}, {pipeline_mode = #tpu.pipeline_mode<synchronous>, transform_indices = @transform_2, window_bounds = array<i64: 128, 128>}, {transform_indices = @transform_3, window_bounds = array<i64: 400, 80>}, {transform_indices = @transform_4, window_bounds = array<i64: 400, 80>}, {transform_indices = @transform_5, window_bounds = array<i64: 400, 128>}]} {
    %get3A = arith.constant 0 : index
    %get3A_0 = arith.constant 0 : index
    %get3A_1 = vector.load %arg1[%get3A, %get3A_0] : memref<400x128xf32, #tpu.memory_space<vmem>>, vector<400x128xf32>
    %get3A_2 = arith.constant 0 : index
    %get3A_3 = arith.constant 0 : index
    %get3A_4 = vector.load %arg2[%get3A_2, %get3A_3] : memref<128x128xf32, #tpu.memory_space<vmem>>, vector<128x128xf32>
    %dot_general3A = arith.constant dense<0.000000e+00> : vector<400x128xf32>
    %dot_general3A_5 = tpu.matmul %get3A_1, %get3A_4, %dot_general3A {dimension_numbers = #tpu.dot_dimension_numbers<[1], [0], [0], [1], [0, 0, 1, 1], [], []>, precision = #tpu.contract_precision<fp32>, transpose_lhs_hint = false} : vector<400x128xf32>, vector<128x128xf32>, vector<400x128xf32> -> vector<400x128xf32>
    %broadcast_in_dim3A = arith.constant 1.000000e+00 : f32
    %broadcast_in_dim3A_6 = vector.broadcast %broadcast_in_dim3A : f32 to vector<400x16xf32>
    %slice3A = vector.extract_strided_slice %dot_general3A_5 {offsets = [0, 0], sizes = [400, 64], strides = [1, 1]} : vector<400x128xf32> to vector<400x64xf32>
    %concatenate3A = tpu.concatenate %slice3A, %broadcast_in_dim3A_6 in 1 : vector<400x64xf32>, vector<400x16xf32> -> vector<400x80xf32>
    %slice3A_7 = vector.extract_strided_slice %dot_general3A_5 {offsets = [0, 64], sizes = [400, 64], strides = [1, 1]} : vector<400x128xf32> to vector<400x64xf32>
    %concatenate3A_8 = tpu.concatenate %slice3A_7, %broadcast_in_dim3A_6 in 1 : vector<400x64xf32>, vector<400x16xf32> -> vector<400x80xf32>
    %swap3A = arith.constant 0 : index
    %swap3A_9 = arith.constant 0 : index
    %swap3A_10 = vector.load %arg4[%swap3A, %swap3A_9] : memref<400x80xf32, #tpu.memory_space<vmem>>, vector<400x80xf32>
    tpu.vector_store %arg4[%swap3A, %swap3A_9], %concatenate3A {strides = array<i32>} : memref<400x80xf32, #tpu.memory_space<vmem>>, vector<400x80xf32>,
    %swap3A_11 = arith.constant 0 : index
    %swap3A_12 = arith.constant 0 : index
    %swap3A_13 = vector.load %arg5[%swap3A_11, %swap3A_12] : memref<400x80xf32, #tpu.memory_space<vmem>>, vector<400x80xf32>
    tpu.vector_store %arg5[%swap3A_11, %swap3A_12], %concatenate3A_8 {strides = array<i32>} : memref<400x80xf32, #tpu.memory_space<vmem>>, vector<400x80xf32>,
    %get3A_14 = arith.constant 0 : index
    %get3A_15 = arith.constant 0 : index
    %get3A_16 = vector.load %arg3[%get3A_14, %get3A_15] : memref<128x128xf32, #tpu.memory_space<vmem>>, vector<128x128xf32>
    %dot_general3A_17 = arith.constant dense<0.000000e+00> : vector<400x128xf32>
    %dot_general3A_18 = tpu.matmul %get3A_1, %get3A_16, %dot_general3A_17 {dimension_numbers = #tpu.dot_dimension_numbers<[1], [0], [0], [1], [0, 0, 1, 1], [], []>, precision = #tpu.contract_precision<fp32>, transpose_lhs_hint = false} : vector<400x128xf32>, vector<128x128xf32>, vector<400x128xf32> -> vector<400x128xf32>
    %swap3A_19 = arith.constant 0 : index
    %swap3A_20 = arith.constant 0 : index
    %swap3A_21 = vector.load %arg6[%swap3A_19, %swap3A_20] : memref<400x128xf32, #tpu.memory_space<vmem>>, vector<400x128xf32>
    tpu.vector_store %arg6[%swap3A_19, %swap3A_20], %dot_general3A_18 {strides = array<i32>} : memref<400x128xf32, #tpu.memory_space<vmem>>, vector<400x128xf32>,
    return
  }
  func.func @transform_0(%arg0: i32) -> (i32, i32) {
    %c0_i32 = arith.constant 0 : i32
    %c0_i32_0 = arith.constant 0 : i32
    return %arg0, %c0_i32 : i32, i32
  }
  func.func @transform_1(%arg0: i32) -> (i32, i32) {
    %c0_i32 = arith.constant 0 : i32
    %c0_i32_0 = arith.constant 0 : i32
    %c0_i32_1 = arith.constant 0 : i32
    return %c0_i32, %c0_i32_0 : i32, i32
  }
  func.func @transform_2(%arg0: i32) -> (i32, i32) {
    %c0_i32 = arith.constant 0 : i32
    %c0_i32_0 = arith.constant 0 : i32
    %c0_i32_1 = arith.constant 0 : i32
    return %c0_i32, %c0_i32_0 : i32, i32
  }
  func.func @transform_3(%arg0: i32) -> (i32, i32) {
    %c0_i32 = arith.constant 0 : i32
    %c0_i32_0 = arith.constant 0 : i32
    return %arg0, %c0_i32 : i32, i32
  }
  func.func @transform_4(%arg0: i32) -> (i32, i32) {
    %c0_i32 = arith.constant 0 : i32
    %c0_i32_0 = arith.constant 0 : i32
    return %arg0, %c0_i32 : i32, i32
  }
  func.func @transform_5(%arg0: i32) -> (i32, i32) {
    %c0_i32 = arith.constant 0 : i32
    %c0_i32_0 = arith.constant 0 : i32
    return %arg0, %c0_i32 : i32, i32
  }
}

module attributes {stable_mosaic.version = 14 : i64} {
  func.func @_mid_body(%arg0: i32, %arg1: memref<400x80xf32, #tpu.memory_space<vmem>>, %arg2: memref<400x80xf32, #tpu.memory_space<vmem>>, %arg3: memref<1x128xf32, #tpu.memory_space<vmem>>, %arg4: memref<400x128xf32, #tpu.memory_space<vmem>>, %arg5: memref<128x128xf32, #tpu.memory_space<vmem>>, %arg6: memref<128x128xf32, #tpu.memory_space<vmem>>, %arg7: memref<400x128xf32, #tpu.memory_space<vmem>>, %arg8: memref<400x80xf32, #tpu.memory_space<vmem>>, %arg9: memref<400x80xf32, #tpu.memory_space<vmem>>, %arg10: memref<400x128xf32, #tpu.memory_space<vmem>>) attributes {dimension_semantics = [#tpu.dimension_semantics<arbitrary>], iteration_bounds = array<i64: 25>, scalar_prefetch = 0 : i64, scratch_operands = 0 : i64, tpu.core_type = #tpu.core_type<tc>, window_params = [{transform_indices = @transform_0, window_bounds = array<i64: 400, 80>}, {transform_indices = @transform_1, window_bounds = array<i64: 400, 80>}, {pipeline_mode = #tpu.pipeline_mode<synchronous>, transform_indices = @transform_2, window_bounds = array<i64: 1, 128>}, {transform_indices = @transform_3, window_bounds = array<i64: 400, 128>}, {pipeline_mode = #tpu.pipeline_mode<synchronous>, transform_indices = @transform_4, window_bounds = array<i64: 128, 128>}, {pipeline_mode = #tpu.pipeline_mode<synchronous>, transform_indices = @transform_5, window_bounds = array<i64: 128, 128>}, {transform_indices = @transform_6, window_bounds = array<i64: 400, 128>}, {transform_indices = @transform_7, window_bounds = array<i64: 400, 80>}, {transform_indices = @transform_8, window_bounds = array<i64: 400, 80>}, {transform_indices = @transform_9, window_bounds = array<i64: 400, 128>}]} {
    %get3A = arith.constant 0 : index
    %get3A_0 = arith.constant 0 : index
    %get3A_1 = vector.load %arg1[%get3A, %get3A_0] : memref<400x80xf32, #tpu.memory_space<vmem>>, vector<400x80xf32>
    %get3A_2 = arith.constant 0 : index
    %get3A_3 = arith.constant 0 : index
    %get3A_4 = vector.load %arg2[%get3A_2, %get3A_3] : memref<400x80xf32, #tpu.memory_space<vmem>>, vector<400x80xf32>
    %slice3A = vector.extract_strided_slice %get3A_1 {offsets = [0, 0], sizes = [400, 64], strides = [1, 1]} : vector<400x80xf32> to vector<400x64xf32>
    %slice3A_5 = vector.extract_strided_slice %get3A_4 {offsets = [0, 0], sizes = [400, 64], strides = [1, 1]} : vector<400x80xf32> to vector<400x64xf32>
    %concatenate3A = tpu.concatenate %slice3A, %slice3A_5 in 1 : vector<400x64xf32>, vector<400x64xf32> -> vector<400x128xf32>
    %slice3A_6 = vector.extract_strided_slice %get3A_1 {offsets = [0, 64], sizes = [400, 1], strides = [1, 1]} : vector<400x80xf32> to vector<400x1xf32>
    %max3A = arith.constant 1.000000e+00 : f32
    %max3A_7 = vector.broadcast %max3A : f32 to vector<400x1xf32>
    %max3A_8 = arith.maximumf %slice3A_6, %max3A_7 : vector<400x1xf32>
    %div3A = vector.broadcast %max3A_8 : vector<400x1xf32> to vector<400x128xf32>
    %div3A_9 = arith.divf %concatenate3A, %div3A : vector<400x128xf32>
    %get3A_10 = arith.constant 0 : index
    %get3A_11 = arith.constant 0 : index
    %get3A_12 = vector.load %arg3[%get3A_10, %get3A_11] : memref<1x128xf32, #tpu.memory_space<vmem>>, vector<1x128xf32>
    %add3A = vector.broadcast %get3A_12 : vector<1x128xf32> to vector<400x128xf32>
    %add3A_13 = arith.addf %div3A_9, %add3A : vector<400x128xf32>
    %get3A_14 = arith.constant 0 : index
    %get3A_15 = arith.constant 0 : index
    %get3A_16 = vector.load %arg4[%get3A_14, %get3A_15] : memref<400x128xf32, #tpu.memory_space<vmem>>, vector<400x128xf32>
    %add3A_17 = arith.addf %add3A_13, %get3A_16 : vector<400x128xf32>
    %swap3A = arith.constant 0 : index
    %swap3A_18 = arith.constant 0 : index
    %swap3A_19 = vector.load %arg7[%swap3A, %swap3A_18] : memref<400x128xf32, #tpu.memory_space<vmem>>, vector<400x128xf32>
    tpu.vector_store %arg7[%swap3A, %swap3A_18], %add3A_17 {strides = array<i32>} : memref<400x128xf32, #tpu.memory_space<vmem>>, vector<400x128xf32>,
    %get3A_20 = arith.constant 0 : index
    %get3A_21 = arith.constant 0 : index
    %get3A_22 = vector.load %arg5[%get3A_20, %get3A_21] : memref<128x128xf32, #tpu.memory_space<vmem>>, vector<128x128xf32>
    %dot_general3A = arith.constant dense<0.000000e+00> : vector<400x128xf32>
    %dot_general3A_23 = tpu.matmul %add3A_17, %get3A_22, %dot_general3A {dimension_numbers = #tpu.dot_dimension_numbers<[1], [0], [0], [1], [0, 0, 1, 1], [], []>, precision = #tpu.contract_precision<fp32>, transpose_lhs_hint = false} : vector<400x128xf32>, vector<128x128xf32>, vector<400x128xf32> -> vector<400x128xf32>
    %broadcast_in_dim3A = arith.constant 1.000000e+00 : f32
    %broadcast_in_dim3A_24 = vector.broadcast %broadcast_in_dim3A : f32 to vector<400x16xf32>
    %slice3A_25 = vector.extract_strided_slice %dot_general3A_23 {offsets = [0, 0], sizes = [400, 64], strides = [1, 1]} : vector<400x128xf32> to vector<400x64xf32>
    %concatenate3A_26 = tpu.concatenate %slice3A_25, %broadcast_in_dim3A_24 in 1 : vector<400x64xf32>, vector<400x16xf32> -> vector<400x80xf32>
    %slice3A_27 = vector.extract_strided_slice %dot_general3A_23 {offsets = [0, 64], sizes = [400, 64], strides = [1, 1]} : vector<400x128xf32> to vector<400x64xf32>
    %concatenate3A_28 = tpu.concatenate %slice3A_27, %broadcast_in_dim3A_24 in 1 : vector<400x64xf32>, vector<400x16xf32> -> vector<400x80xf32>
    %swap3A_29 = arith.constant 0 : index
    %swap3A_30 = arith.constant 0 : index
    %swap3A_31 = vector.load %arg8[%swap3A_29, %swap3A_30] : memref<400x80xf32, #tpu.memory_space<vmem>>, vector<400x80xf32>
    tpu.vector_store %arg8[%swap3A_29, %swap3A_30], %concatenate3A_26 {strides = array<i32>} : memref<400x80xf32, #tpu.memory_space<vmem>>, vector<400x80xf32>,
    %swap3A_32 = arith.constant 0 : index
    %swap3A_33 = arith.constant 0 : index
    %swap3A_34 = vector.load %arg9[%swap3A_32, %swap3A_33] : memref<400x80xf32, #tpu.memory_space<vmem>>, vector<400x80xf32>
    tpu.vector_store %arg9[%swap3A_32, %swap3A_33], %concatenate3A_28 {strides = array<i32>} : memref<400x80xf32, #tpu.memory_space<vmem>>, vector<400x80xf32>,
    %get3A_35 = arith.constant 0 : index
    %get3A_36 = arith.constant 0 : index
    %get3A_37 = vector.load %arg6[%get3A_35, %get3A_36] : memref<128x128xf32, #tpu.memory_space<vmem>>, vector<128x128xf32>
    %dot_general3A_38 = arith.constant dense<0.000000e+00> : vector<400x128xf32>
    %dot_general3A_39 = tpu.matmul %add3A_17, %get3A_37, %dot_general3A_38 {dimension_numbers = #tpu.dot_dimension_numbers<[1], [0], [0], [1], [0, 0, 1, 1], [], []>, precision = #tpu.contract_precision<fp32>, transpose_lhs_hint = false} : vector<400x128xf32>, vector<128x128xf32>, vector<400x128xf32> -> vector<400x128xf32>
    %swap3A_40 = arith.constant 0 : index
    %swap3A_41 = arith.constant 0 : index
    %swap3A_42 = vector.load %arg10[%swap3A_40, %swap3A_41] : memref<400x128xf32, #tpu.memory_space<vmem>>, vector<400x128xf32>
    tpu.vector_store %arg10[%swap3A_40, %swap3A_41], %dot_general3A_39 {strides = array<i32>} : memref<400x128xf32, #tpu.memory_space<vmem>>, vector<400x128xf32>,
    return
  }
  func.func @transform_0(%arg0: i32) -> (i32, i32) {
    %c0_i32 = arith.constant 0 : i32
    %c0_i32_0 = arith.constant 0 : i32
    return %arg0, %c0_i32 : i32, i32
  }
  func.func @transform_1(%arg0: i32) -> (i32, i32) {
    %c0_i32 = arith.constant 0 : i32
    %c0_i32_0 = arith.constant 0 : i32
    return %arg0, %c0_i32 : i32, i32
  }
  func.func @transform_2(%arg0: i32) -> (i32, i32) {
    %c0_i32 = arith.constant 0 : i32
    %c0_i32_0 = arith.constant 0 : i32
    %c0_i32_1 = arith.constant 0 : i32
    return %c0_i32, %c0_i32_0 : i32, i32
  }
  func.func @transform_3(%arg0: i32) -> (i32, i32) {
    %c0_i32 = arith.constant 0 : i32
    %c0_i32_0 = arith.constant 0 : i32
    return %arg0, %c0_i32 : i32, i32
  }
  func.func @transform_4(%arg0: i32) -> (i32, i32) {
    %c0_i32 = arith.constant 0 : i32
    %c0_i32_0 = arith.constant 0 : i32
    %c0_i32_1 = arith.constant 0 : i32
    return %c0_i32, %c0_i32_0 : i32, i32
  }
  func.func @transform_5(%arg0: i32) -> (i32, i32) {
    %c0_i32 = arith.constant 0 : i32
    %c0_i32_0 = arith.constant 0 : i32
    %c0_i32_1 = arith.constant 0 : i32
    return %c0_i32, %c0_i32_0 : i32, i32
  }
  func.func @transform_6(%arg0: i32) -> (i32, i32) {
    %c0_i32 = arith.constant 0 : i32
    %c0_i32_0 = arith.constant 0 : i32
    return %arg0, %c0_i32 : i32, i32
  }
  func.func @transform_7(%arg0: i32) -> (i32, i32) {
    %c0_i32 = arith.constant 0 : i32
    %c0_i32_0 = arith.constant 0 : i32
    return %arg0, %c0_i32 : i32, i32
  }
  func.func @transform_8(%arg0: i32) -> (i32, i32) {
    %c0_i32 = arith.constant 0 : i32
    %c0_i32_0 = arith.constant 0 : i32
    return %arg0, %c0_i32 : i32, i32
  }
  func.func @transform_9(%arg0: i32) -> (i32, i32) {
    %c0_i32 = arith.constant 0 : i32
    %c0_i32_0 = arith.constant 0 : i32
    return %arg0, %c0_i32 : i32, i32
  }
}

module attributes {stable_mosaic.version = 14 : i64} {
  func.func @_post_body(%arg0: i32, %arg1: memref<400x80xf32, #tpu.memory_space<vmem>>, %arg2: memref<400x80xf32, #tpu.memory_space<vmem>>, %arg3: memref<1x128xf32, #tpu.memory_space<vmem>>, %arg4: memref<400x128xf32, #tpu.memory_space<vmem>>, %arg5: memref<400x128xf32, #tpu.memory_space<vmem>>) attributes {dimension_semantics = [#tpu.dimension_semantics<arbitrary>], iteration_bounds = array<i64: 25>, scalar_prefetch = 0 : i64, scratch_operands = 0 : i64, tpu.core_type = #tpu.core_type<tc>, window_params = [{transform_indices = @transform_0, window_bounds = array<i64: 400, 80>}, {transform_indices = @transform_1, window_bounds = array<i64: 400, 80>}, {pipeline_mode = #tpu.pipeline_mode<synchronous>, transform_indices = @transform_2, window_bounds = array<i64: 1, 128>}, {transform_indices = @transform_3, window_bounds = array<i64: 400, 128>}, {transform_indices = @transform_4, window_bounds = array<i64: 400, 128>}]} {
    %get3A = arith.constant 0 : index
    %get3A_0 = arith.constant 0 : index
    %get3A_1 = vector.load %arg1[%get3A, %get3A_0] : memref<400x80xf32, #tpu.memory_space<vmem>>, vector<400x80xf32>
    %get3A_2 = arith.constant 0 : index
    %get3A_3 = arith.constant 0 : index
    %get3A_4 = vector.load %arg2[%get3A_2, %get3A_3] : memref<400x80xf32, #tpu.memory_space<vmem>>, vector<400x80xf32>
    %slice3A = vector.extract_strided_slice %get3A_1 {offsets = [0, 0], sizes = [400, 64], strides = [1, 1]} : vector<400x80xf32> to vector<400x64xf32>
    %slice3A_5 = vector.extract_strided_slice %get3A_4 {offsets = [0, 0], sizes = [400, 64], strides = [1, 1]} : vector<400x80xf32> to vector<400x64xf32>
    %concatenate3A = tpu.concatenate %slice3A, %slice3A_5 in 1 : vector<400x64xf32>, vector<400x64xf32> -> vector<400x128xf32>
    %slice3A_6 = vector.extract_strided_slice %get3A_1 {offsets = [0, 64], sizes = [400, 1], strides = [1, 1]} : vector<400x80xf32> to vector<400x1xf32>
    %max3A = arith.constant 1.000000e+00 : f32
    %max3A_7 = vector.broadcast %max3A : f32 to vector<400x1xf32>
    %max3A_8 = arith.maximumf %slice3A_6, %max3A_7 : vector<400x1xf32>
    %div3A = vector.broadcast %max3A_8 : vector<400x1xf32> to vector<400x128xf32>
    %div3A_9 = arith.divf %concatenate3A, %div3A : vector<400x128xf32>
    %get3A_10 = arith.constant 0 : index
    %get3A_11 = arith.constant 0 : index
    %get3A_12 = vector.load %arg3[%get3A_10, %get3A_11] : memref<1x128xf32, #tpu.memory_space<vmem>>, vector<1x128xf32>
    %add3A = vector.broadcast %get3A_12 : vector<1x128xf32> to vector<400x128xf32>
    %add3A_13 = arith.addf %div3A_9, %add3A : vector<400x128xf32>
    %get3A_14 = arith.constant 0 : index
    %get3A_15 = arith.constant 0 : index
    %get3A_16 = vector.load %arg4[%get3A_14, %get3A_15] : memref<400x128xf32, #tpu.memory_space<vmem>>, vector<400x128xf32>
    %add3A_17 = arith.addf %add3A_13, %get3A_16 : vector<400x128xf32>
    %swap3A = arith.constant 0 : index
    %swap3A_18 = arith.constant 0 : index
    %swap3A_19 = vector.load %arg5[%swap3A, %swap3A_18] : memref<400x128xf32, #tpu.memory_space<vmem>>, vector<400x128xf32>
    tpu.vector_store %arg5[%swap3A, %swap3A_18], %add3A_17 {strides = array<i32>} : memref<400x128xf32, #tpu.memory_space<vmem>>, vector<400x128xf32>,
    return
  }
  func.func @transform_0(%arg0: i32) -> (i32, i32) {
    %c0_i32 = arith.constant 0 : i32
    %c0_i32_0 = arith.constant 0 : i32
    return %arg0, %c0_i32 : i32, i32
  }
  func.func @transform_1(%arg0: i32) -> (i32, i32) {
    %c0_i32 = arith.constant 0 : i32
    %c0_i32_0 = arith.constant 0 : i32
    return %arg0, %c0_i32 : i32, i32
  }
  func.func @transform_2(%arg0: i32) -> (i32, i32) {
    %c0_i32 = arith.constant 0 : i32
    %c0_i32_0 = arith.constant 0 : i32
    %c0_i32_1 = arith.constant 0 : i32
    return %c0_i32, %c0_i32_0 : i32, i32
  }
  func.func @transform_3(%arg0: i32) -> (i32, i32) {
    %c0_i32 = arith.constant 0 : i32
    %c0_i32_0 = arith.constant 0 : i32
    return %arg0, %c0_i32 : i32, i32
  }
  func.func @transform_4(%arg0: i32) -> (i32, i32) {
    %c0_i32 = arith.constant 0 : i32
    %c0_i32_0 = arith.constant 0 : i32
    return %arg0, %c0_i32 : i32, i32
  }
}

</mosaic_0001>

<sc_bundles>
// kernel: _run.10.cloned.1.call-start
scs
__scs_entry_jumppad:
0x0: {  	(pc) =	sbr.rel $0x88, $3  }
0x1: {  	(tag) =	ssettag $0x0;
	lr =	simm.s32 $0x1  }
0x2: {  	[smem:$0x3F99] =	sst lr;
	_ =	strace $0xD0000000  }
0x3: {  	_ = 	snop  }
0x4: {  	_ = 	snop  }
0x5: {  	_ = 	snop  }
0x6: {  	_ = 	snop  }
0x7: {  	_ = 	snop  }
__scs_overlays_trampoline_lowered:
0x8: {  	[smem:$0x3FA8] =	sst s0  }
0x9: {  	[smem:$0x3FA9] =	sst s1  }
0xa: {  	[smem:$0x3FAA] =	sst s2  }
0xb: {  	[smem:$0x3FAB] =	sst s3  }
0xc: {  	[smem:$0x3FAC] =	sst s4  }
0xd: {  	[smem:$0x3FAD] =	sst s5  }
0xe: {  	[smem:$0x3FAE] =	sst s6  }
0xf: {  	[smem:$0x3FAF] =	sst s7  }
0x10: {  	[smem:$0x3FB0] =	sst s8  }
0x11: {  	[smem:$0x3FB1] =	sst s9;
	s0 =	simm.s32 @!p0 $0x0  }
0x12: {  	s1 =	sld [smem:$0x3F97];
	s0 =	simm.s32 @p0 $0x1  }
0x13: {  	[smem:$0x3FB2] =	sst s0;
	s0 =	simm.s32 @!p1 $0x0  }
0x14: {  	s2 =	sld [smem:$0x3F96];
	s0 =	simm.s32 @p1 $0x1  }
0x15: {  	[smem:$0x3FB3] =	sst s0;
	s0 =	simm.s32 @!p2 $0x0  }
0x16: {  	s3 =	sld [smem:$0x3FDB];
	s0 =	simm.s32 @p2 $0x1  }
0x17: {  	s4 =	simm.s32 $0x1BF5;
	[smem:$0x3FB5] =	sst s0  }
0x18: {  	s0 =	sld [smem:$0x3F98];
	_ =	swait.ge [sflag:s4], $0x0  }
0x19: {  	s7 =	sld [smem:$0x3F99]  }
0x1a: {  	s8 =	sadd.s32 $0xFFFFE003, lr  }
0x1b: {  	s9 =	sadd.s32 $0xFFFFFEF7, lr;
	s5 =	simm.s32 $0xFFFFFFFF;
	p2 =	slt.u32 s8, $0xFFFFF086  }
0x1c: {  	p1 =	slt.u32 s9, $0xF7A;
	s5 =	simm.s32 @!p2 $0x0  }
0x1d: {  	s5 =	simm.s32 @p1 $0x1;
	p0 =	seq.s32 s7, s2  }
0x1e: {  	s7 =	smul.u32 @!p0 $0xF7A, s2;
	p2 =	seq.s32 @!p0 s5, $0x0  }
0x1f: {  	s9 =	smul.u32 $0xF7A, s1;
	s8 =	simm.s32 @!p0 $0x1BF5;
	p2 =	por !p2, p0  }
0x20: {  	[sflag:s8] =	ssyncset.s32 @!p0 $0xFFFFF086;
	s6 =	sadd.s32 @!p0 s3, s7;
	s7 =	simm.s32 @!p0 $0x108  }
0x21: {  	s3 =	sadd.s32 s3, s9;
	s6 =	sadd.s32 @!p0 $0x88, s6;
	s7 =	simm.s32 @p2 $0x1082  }
0x22: {  	[simem:s7], [sflag:s8] =	dma.local @!p0 [hbm:s6], $0xF7A  }
0x23: {  	s9 =	sor.u32 $0xD0000000, s2;
	s6 =	simm.s32 $0x108;
	_ =	swait.ge @!p0 [sflag:s8], $0x0  }
0x24: {  	s3 =	sadd.s32 $0x88, s3;
	s6 =	simm.s32 @!p1 $0x1082;
	[sflag:s4] =	ssyncset.s32 $0xFFFFF086  }
0x25: {  	[simem:s6], [sflag:s4] =	dma.local [hbm:s3], $0xF7A  }
0x26: {  	[smem:$0x3F99] =	sst s1;
	(tag) =	ssettag s2;
	_ =	strace s9  }
0x27: {  	s1 =	sld [smem:$0x3FA9]  }
0x28: {  	s2 =	sld [smem:$0x3FAA]  }
0x29: {  	s4 =	sld [smem:$0x3FAC]  }
0x2a: {  	p0 =	seq.s32 s5, $0x0;
	s5 =	sld [smem:$0x3FAD]  }
0x2b: {  	s6 =	sld [smem:$0x3FAE]  }
0x2c: {  	s7 =	sld [smem:$0x3FAF]  }
0x2d: {  	s3 =	simm.s32 $0x108;
	s8 =	sld [smem:$0x3FB0]  }
0x2e: {  	s3 =	simm.s32 @!p0 $0x1082;
	s9 =	sld [smem:$0x3FB1]  }
0x2f: {  	lr =	sadd.s32 s0, s3;
	s0 =	sld [smem:$0x3FA8]  }
0x30: {  	s3 =	sld [smem:$0x3FAB]  }
0x31: {  	[smem:$0x3FB4] =	sst s10  }
0x32: {  	s10 =	sld [smem:$0x3FB2];
	_ =	sdelay $0x3  }
0x33: {  	p0 =	seq.s32 s10, $0x1;
	s10 =	sld [smem:$0x3FB4];
	_ =	sdelay $0x3  }
0x34: {  	[smem:$0x3FB4] =	sst s10  }
0x35: {  	s10 =	sld [smem:$0x3FB3];
	_ =	sdelay $0x3  }
0x36: {  	p1 =	seq.s32 s10, $0x1;
	s10 =	sld [smem:$0x3FB4];
	_ =	sdelay $0x3  }
0x37: {  	[smem:$0x3FB4] =	sst s10  }
0x38: {  	s10 =	sld [smem:$0x3FB5]  }
0x39: {  	_ = 	snop;
	(pc) =	sbr.ind lr, $3  }
0x3a: {  	_ = 	snop  }
0x3b: {  	_ = 	snop  }
0x3c: {  	p2 =	seq.s32 s10, $0x1;
	s10 =	sld [smem:$0x3FB4]  }
0x3d: {  	_ =	shalt  }
0x3e: {  	_ =	shalt  }
0x3f: {  	_ =	shalt  }
0x40: {  	_ =	shalt  }
0x41: {  	_ =	shalt  }
0x42: {  	_ =	shalt  }
0x43: {  	_ =	shalt  }
0x44: {  	_ =	shalt  }
0x45: {  	_ =	shalt  }
0x46: {  	_ =	shalt  }
0x47: {  	_ =	shalt  }
0x48: {  	_ =	shalt  }
0x49: {  	_ =	shalt  }
0x4a: {  	_ =	shalt  }
0x4b: {  	_ =	shalt  }
0x4c: {  	_ =	shalt  }
0x4d: {  	_ =	shalt  }
0x4e: {  	_ =	shalt  }
0x4f: {  	_ =	shalt  }
0x50: {  	_ =	shalt  }
0x51: {  	_ =	shalt  }
0x52: {  	_ =	shalt  }
0x53: {  	_ =	shalt  }
0x54: {  	_ =	shalt  }
0x55: {  	_ =	shalt  }
0x56: {  	_ =	shalt  }
0x57: {  	_ =	shalt  }
0x58: {  	_ =	shalt  }
0x59: {  	_ =	shalt  }
0x5a: {  	_ =	shalt  }
0x5b: {  	_ =	shalt  }
0x5c: {  	_ =	shalt  }
0x5d: {  	_ =	shalt  }
0x5e: {  	_ =	shalt  }
0x5f: {  	_ =	shalt  }
0x60: {  	_ =	shalt  }
0x61: {  	_ =	shalt  }
0x62: {  	_ =	shalt  }
0x63: {  	_ =	shalt  }
0x64: {  	_ =	shalt  }
0x65: {  	_ =	shalt  }
0x66: {  	_ =	shalt  }
0x67: {  	_ =	shalt  }
0x68: {  	_ =	shalt  }
0x69: {  	_ =	shalt  }
0x6a: {  	_ =	shalt  }
0x6b: {  	_ =	shalt  }
0x6c: {  	_ =	shalt  }
0x6d: {  	_ =	shalt  }
0x6e: {  	_ =	shalt  }
0x6f: {  	_ =	shalt  }
0x70: {  	_ =	shalt  }
0x71: {  	_ =	shalt  }
0x72: {  	_ =	shalt  }
0x73: {  	_ =	shalt  }
0x74: {  	_ =	shalt  }
0x75: {  	_ =	shalt  }
0x76: {  	_ =	shalt  }
0x77: {  	_ =	shalt  }
0x78: {  	_ =	shalt  }
0x79: {  	_ =	shalt  }
0x7a: {  	_ =	shalt  }
0x7b: {  	_ =	shalt  }
0x7c: {  	_ =	shalt  }
0x7d: {  	_ =	shalt  }
0x7e: {  	_ =	shalt  }
0x7f: {  	_ =	shalt  }
0x80: {  	_ =	shalt  }
0x81: {  	_ =	shalt  }
0x82: {  	_ =	shalt  }
0x83: {  	_ =	shalt  }
0x84: {  	_ =	shalt  }
0x85: {  	_ =	shalt  }
0x86: {  	_ =	shalt  }
0x87: {  	_ =	shalt  }
.Lfunc_end0:
.L_simem_size_0:
called_computation.1_lowered:
.L_overlay_start_0:
0x88: {  	s2 =	sld [smem:$0x3FD9]  }
0x89: {  	s3 =	sld [smem:$0x3FFE];
	_ =	sdelay $0x1  }
0x8a: {  	s1 =	srdreg.scid  }
0x8b: {  	s0 =	sand.u32 $0x1, s1  }
0x8c: {  	s14 =	sshll.u32 s0, $0xA;
	s2 =	sadd.s32 s3, s2  }
0x8d: {  	s2 =	sadd.s32 s2, s14  }
0x8e: {  	[smem:$0x3FC0] =	sst s2  }
0x8f: {  	_ = 	snop  }
0x90: {  	s2 =	sld [smem:$0x3FD0];
	_ =	sdelay $0x2  }
0x91: {  	s15 =	simm.s32 $0xA;
	s4 =	simm.s32 $0x10  }
0x92: {  	[smem:s4], [sflag:s15] =	dma.local [hbm:s2], $0x1  }
0x93: {  	_ =	swait.eq [sflag:s15], $0x1  }
0x94: {  	[sflag:s15] =	ssyncset.done $0x0  }
0x95: {  	[sflag:s15] =	ssyncadd.s32 $0xFFFFFFFF  }
0x96: {  	s16 =	sld [smem:$0x10];
	(tm) =	ssettm $0x1  }
0x97: {  	s17 =	sld [smem:$0x3FFB];
	_ =	sdelay $0x3  }
0x98: {  	_ =	strace s17  }
0x99: {  	s3 =	sld [smem:$0x3FFC];
	_ =	sdelay $0x3  }
0x9a: {  	_ =	strace s3  }
0x9b: {  	s3 =	sld [smem:$0x3FFD];
	_ =	sdelay $0x3  }
0x9c: {  	_ =	strace s3  }
0x9d: {  	_ =	strace $0x8FFFFFFF  }
0x9e: {  	s18 =	sld [smem:$0x3FDB];
	_ =	sdelay $0x1  }
0x9f: {  	s19 =	simm.s32 $_scs_section_size  }
0xa0: {  	s5 =	simm.s32 $_size__tile_overlayer_lowered;
	s6 =	simm.s32 $_tile_overlayer_lowered  }
0xa1: {  	s22 =	simm.s32 $0x1BFF;
	s21 =	sshll.u32 s6, $0x1;
	s3 =	sadd.s32 s19, s18  }
0xa2: {  	s7 =	simm.s32 $0x0;
	s20 =	sshll.u32 s5, $0x1;
	s5 =	sadd.s32 s21, s3  }
0xa3: {  	[timem:s7], [sflag:s22] =	dma.local [hbm:s5], s20  }
0xa4: {  	_ =	swait.ge [sflag:s22], s20  }
0xa5: {  	s4 =	ssub.s32 $0x0, s20;
	[sflag:s22] =	ssyncset.done $0x0  }
0xa6: {  	[sflag:s22] =	ssyncadd.s32 s4;
	_ =	sdelay $0x1  }
0xa7: {  	s23 =	simm.s32 $0x1B8B  }
0xa8: {  	_ =	swait.ge [sflag:s23], $0x1  }
0xa9: {  	[sflag:s23] =	ssyncset.done $0x0  }
0xaa: {  	s25 =	simm.s32 $0x1B8E;
	s24 =	sld [smem:$0x3FFE];
	[sflag:s23] =	ssyncadd.s32 $0xFFFFFFFF  }
0xab: {  	s26 =	simm.s32 $execute0_lowered;
	[smem:$0x3FD2] =	sst s25  }
0xac: {  	s5 =	sshll.u32 s26, $0x1;
	_ =	strace $0x80000049;
	[dreg:$0x1] =	wrdreg $0xFFFFFFFF  }
0xad: {  	s28 =	simm.s32 $_size_execute0_lowered;
	s3 =	sadd.s32 s3, s5;
	[dreg:$0x0] =	wrdreg $0x0  }
0xae: {  	s5 =	sshll.u32 s28, $0x1;
	[dreg:$0x2] =	wrdreg s3  }
0xaf: {  	[dreg:$0x3] =	wrdreg s5  }
0xb0: {  	[dreg:$0x4] =	wrdreg $0xC0  }
0xb1: {  	_ =	task [dreg:s7], $0x5FFFF  }
0xb2: {  	[dreg:$0x1] =	wrdreg $0xFFFFFFFF  }
0xb3: {  	[dreg:$0x0] =	wrdreg $0x60  }
0xb4: {  	[dreg:$0x2] =	wrdreg s24  }
0xb5: {  	[dreg:$0x3] =	wrdreg s16  }
0xb6: {  	[dreg:$0x4] =	wrdreg $0xF0000  }
0xb7: {  	[dreg:$0x5] =	wrdreg $0x9  }
0xb8: {  	_ =	task.clear_ibuf [dreg:s7], $0x6FFFF;
	_ =	strace $0x90000049  }
0xb9: {  	s29 =	simm.s32 $0x9;
	_ =	strace $0x8000004B  }
0xba: {  	_ =	swait.ge [sflag:s29], $0x1  }
0xbb: {  	[sflag:s29] =	ssyncadd.s32 $0xFFFFFFFF  }
0xbc: {  	_ =	strace $0x9000004B  }
0xbd: {  	_ =	sfence  }
0xbe: {  	s30 =	sld [smem:$0x0];
	_ =	sdelay $0x2  }
0xbf: {  	s31 =	sshll.u32 s1, $0xD;
	s1 =	sshrl.u32 s1, $0x2  }
0xc0: {  	s3 =	sand.u32 $0x4000, s31;
	s1 =	sadd.s32 s1, s30  }
0xc1: {  	s0 =	sor.u32 s3, s0;
	s1 =	sshll.u32 s1, $0x11  }
0xc2: {  	s0 =	sor.u32 s1, s0  }
0xc3: {  	s0 =	sadd.s32 $0x8F2B, s0  }
0xc4: {  	[sflag:s0] =	ssyncadd.remote.s32 $0x1  }
0xc5: {  	_ =	sfence.sel $0xFFFF  }
0xc6: {  	[dreg:$0x0] =	wrdreg $0xFFFFFFFF;
	(pc) =	sbr.abs _section_cstart, $3  }
0xc7: {  	[dreg:$0x1] =	wrdreg $0xFFFFFFFF  }
0xc8: {  	_ =	task.clear_ibuf [dreg:s7], $0x2FFFF;
	_ =	strace $0x9FFFFFFF  }
0xc9: {  	(tm) =	ssettm $0x7FFFFFFF  }
tec
execute0_lowered:
.L_overlay_start_1:
0x0: {  	(tag) =	ssettag $0x1  }
0x1: {  	s5 =	rddreg [dreg:$0x0]  }
0x2: {  	s0 =	srdreg.scid;
	s7 =	rddreg [dreg:$0x1]  }
0x3: {  	s2 =	rddreg [dreg:$0x2];
	s1 =	stileid.u32;
	s3 =	simm.s32 $0x0  }
0x4: {  	s14 =	simm.s32 $0xA000;
	s15 =	simm.s32 $0xC800;
	s16 =	simm.s32 $0x1  }
0x5: {  	s6 =	sand.u32 $0x1, s0;
	s0 =	rddreg [dreg:$0x3];
	s9 =	smul.u32 $0xA00, s1  }
0x6: {  	s17 =	simm.s32 $0x2;
	[smem:$0x7FF] =	sst s3;
	s12 =	smul.u32 $0xC800, s1  }
0x7: {  	s31 =	sshll.u32 s1, $0x6;
	s4 =	sshll.u32 s6, $0x4;
	_ =	strace $0x8000004A  }
0x8: {  	s10 =	smul.u32 $0x19000, s6;
	s6 =	ssub.s32 $0x2, s6;
	s4 =	sor.u32 s1, s4  }
0x9: {  	s9 =	sadd.s32 s9, s5;
	s11 =	sshrl.u32 s6, $0x1;
	s13 =	sadd.s32 s12, s2  }
0xa: {  	s18 =	sshrl.u32 s12, $0x3;
	s8 =	smul.u32 $0xA00, s4;
	s4 =	sadd.s32 $0x1800, s5  }
0xb: {  	s10 =	sadd.s32 s10, s5;
	s11 =	ssub.s32 s6, s11;
	s6 =	sadd.s32 $0x32600, s9  }
0xc: {  	s7 =	sadd.s32 s7, s18;
	s9 =	simm.s32 $0x3;
	s12 =	sshrl.u32 s13, $0x3  }
0xd: {  	s13 =	simm.s32 $0x80;
	s19 =	sadd.s32 $0x50600, s10;
	s10 =	simm.s32 $0x5000  }
0xe: {  	s8 =	sadd.s32 s8, s5;
	s18 =	sadd.s32 s18, s19;
	s19 =	simm.s32 $0x0  }
0xf: {  	s5 =	sadd.s32 $0x3C600, s8;
	s8 =	smax.u32 s11, $0x1;
	s11 =	sor.u32 $0x1C03, s31  }
.LBB2_1:
0x10: {  	[tilespmem:s3], [sflag:$0x3] =	stream.linear.gather [hbm4b:s5+s3], $0x5000, $0x38;
	[tilespmem:$0x1B800] =	vst v63  }
0x11: {  	_ =	swait.ge [sflag:s9], $0x5000  }
0x12: {  	[sflag:s9] =	ssyncset.done $0x0  }
0x13: {  	[sflag:s9] =	ssyncadd.s32 $0xFFFFB000  }
0x14: {  	[tilespmem:s10], [sflag:$0x3] =	stream.linear.gather [hbm4b:s6+s3], $0x5000, $0x38;
	[tilespmem:$0x1B800] =	vst v63  }
0x15: {  	_ =	swait.ge [sflag:s9], $0x5000  }
0x16: {  	[sflag:s9] =	ssyncset.done $0x0  }
0x17: {  	[sflag:s9] =	ssyncadd.s32 $0xFFFFB000  }
0x18: {  	[spmem:s12], [sflag:s11] =	dma.local [hbm:s7], $0x1900  }
0x19: {  	_ =	swait.ge [sflag:s9], $0x1900  }
0x1a: {  	[sflag:s9] =	ssyncset.done $0x0  }
0x1b: {  	[sflag:s9] =	ssyncadd.s32 $0xFFFFE700  }
0x1c: {  	s20 =	simm.s32 $0x0;
	[bflag:$0x0] =	sbarrier.arrive $0xFFFF  }
0x1d: {  	[tilespmem:s14], [sflag:$0x1] =	stream.indirect.gather [hbm4b:s4+s13], $0x50, s20, s13, $0xb8;
	[tilespmem:$0x1B800] =	vst v63  }
0x1e: {  	s29 =	simm.s32 $0x80  }
0x1f: {  	[tilespmem:s15], [sflag:$0x2] =	stream.indirect.gather [hbm4b:s4+s13], $0x50, s29, s13, $0xb8;
	[tilespmem:$0x1B800] =	vst v63  }
0x20: {  	_ =	swait.ge [sflag:s16], $0x2800  }
0x21: {  	[sflag:s16] =	ssyncset.done $0x0  }
0x22: {  	s30 =	simm.s32 $0x5000;
	[sflag:s16] =	ssyncadd.s32 $0xFFFFD800  }
0x23: {  	[spmem:s2] =	stream.indirect.scatter.add.f32 [tilespmem:s14], [sflag:$0x3], $0x50, s30, s13, $0xb8;
	[tilespmem:$0x1B800] =	vst v63  }
0x24: {  	_ =	swait.ge [sflag:s9], $0x2800  }
0x25: {  	[sflag:s9] =	ssyncset.done $0x0  }
0x26: {  	[sflag:s9] =	ssyncadd.s32 $0xFFFFD800  }
0x27: {  	_ =	swait.ge [sflag:s17], $0x2800  }
0x28: {  	[sflag:s17] =	ssyncset.done $0x0  }
0x29: {  	s31 =	simm.s32 $0x5080;
	[sflag:s17] =	ssyncadd.s32 $0xFFFFD800  }
0x2a: {  	[spmem:s2] =	stream.indirect.scatter.add.f32 [tilespmem:s15], [sflag:$0x3], $0x50, s31, s13, $0xb8;
	[tilespmem:$0x1B800] =	vst v63  }
0x2b: {  	_ =	swait.ge [sflag:s9], $0x2800  }
0x2c: {  	s21 =	simm.s32 $0x800;
	s20 =	simm.s32 $0x400;
	[sflag:s9] =	ssyncset.done $0x0  }
.LBB2_2:
0x2d: {  	s22 =	sshra.s32 s20, $0x2  }
0x2e: {  	[sflag:s9] =	ssyncadd.s32 $0xFFFFD800;
	s20 =	smov.u32 s21;
	s23 =	sadd.s32 $0x400, s21  }
0x2f: {  	[tilespmem:s14], [sflag:$0x1] =	stream.indirect.gather [hbm4b:s4+s13], $0x50, s22, s13, $0xb8;
	[tilespmem:$0x1B800] =	vst v63  }
0x30: {  	p0 =	sne.s32 s21, $0x13C00;
	s21 =	sadd.s32 $0x80, s22  }
0x31: {  	[tilespmem:s15], [sflag:$0x2] =	stream.indirect.gather [hbm4b:s4+s13], $0x50, s21, s13, $0xb8;
	[tilespmem:$0x1B800] =	vst v63  }
0x32: {  	_ =	swait.ge [sflag:s16], $0x2800  }
0x33: {  	[sflag:s16] =	ssyncset.done $0x0  }
0x34: {  	s21 =	sadd.s32 $0x5000, s22;
	[sflag:s16] =	ssyncadd.s32 $0xFFFFD800  }
0x35: {  	[spmem:s2] =	stream.indirect.scatter.add.f32 [tilespmem:s14], [sflag:$0x3], $0x50, s21, s13, $0xb8;
	[tilespmem:$0x1B800] =	vst v63  }
0x36: {  	_ =	swait.ge [sflag:s9], $0x2800  }
0x37: {  	[sflag:s9] =	ssyncset.done $0x0  }
0x38: {  	[sflag:s9] =	ssyncadd.s32 $0xFFFFD800  }
0x39: {  	_ =	swait.ge [sflag:s17], $0x2800  }
.Ltmp0:
0x3a: {  	[sflag:s17] =	ssyncset.done $0x0;
	(pc) =	sbr.rel @p0 .LBB2_2-.Ltmp0, $4  }
0x3b: {  	s21 =	sadd.s32 $0x5080, s22;
	[sflag:s17] =	ssyncadd.s32 $0xFFFFD800  }
0x3c: {  	[spmem:s2] =	stream.indirect.scatter.add.f32 [tilespmem:s15], [sflag:$0x3], $0x50, s21, s13, $0xb8;
	[tilespmem:$0x1B800] =	vst v63  }
0x3d: {  	_ =	swait.ge [sflag:s9], $0x2800  }
0x3e: {  	s21 =	smov.u32 s23;
	[sflag:s9] =	ssyncset.done $0x0  }
0x3f: {  	s20 =	sshra.s32 s20, $0x2;
	[sflag:s9] =	ssyncadd.s32 $0xFFFFD800  }
0x40: {  	[tilespmem:s14], [sflag:$0x1] =	stream.indirect.gather [hbm4b:s4+s13], $0x50, s20, s13, $0xb8;
	[tilespmem:$0x1B800] =	vst v63  }
0x41: {  	s21 =	sadd.s32 $0x80, s20  }
0x42: {  	[tilespmem:s15], [sflag:$0x2] =	stream.indirect.gather [hbm4b:s4+s13], $0x50, s21, s13, $0xb8;
	[tilespmem:$0x1B800] =	vst v63  }
0x43: {  	_ =	swait.ge [sflag:s16], $0x2800  }
0x44: {  	[sflag:s16] =	ssyncset.done $0x0  }
0x45: {  	s31 =	sadd.s32 $0x5000, s20;
	[sflag:s16] =	ssyncadd.s32 $0xFFFFD800  }
0x46: {  	[spmem:s2] =	stream.indirect.scatter.add.f32 [tilespmem:s14], [sflag:$0x3], $0x50, s31, s13, $0xb8;
	[tilespmem:$0x1B800] =	vst v63  }
0x47: {  	_ =	swait.ge [sflag:s9], $0x2800  }
0x48: {  	[sflag:s9] =	ssyncset.done $0x0  }
0x49: {  	[sflag:s9] =	ssyncadd.s32 $0xFFFFD800  }
0x4a: {  	_ =	swait.ge [sflag:s17], $0x2800  }
0x4b: {  	[sflag:s17] =	ssyncset.done $0x0  }
0x4c: {  	s20 =	sadd.s32 $0x5080, s20;
	[sflag:s17] =	ssyncadd.s32 $0xFFFFD800  }
0x4d: {  	[spmem:s2] =	stream.indirect.scatter.add.f32 [tilespmem:s15], [sflag:$0x3], $0x50, s20, s13, $0xb8;
	[tilespmem:$0x1B800] =	vst v63  }
0x4e: {  	_ =	swait.ge [sflag:s9], $0x2800  }
0x4f: {  	s19 =	sadd.s32 $0x1, s19;
	[sflag:s9] =	ssyncset.done $0x0  }
0x50: {  	p0 =	sne.s32 s19, s8;
	[sflag:s9] =	ssyncadd.s32 $0xFFFFD800  }
.Ltmp1:
0x51: {  	[bflag:$0x0] =	sbarrier.arrive $0xFFFF;
	(pc) =	sbr.rel @p0 .LBB2_1-.Ltmp1, $4  }
0x52: {  	[hbm:s18], [sflag:s11] =	dma.local [spmem:s12], $0x1900  }
0x53: {  	_ =	swait.ge [sflag:s9], $0x1900  }
0x54: {  	[sflag:s9] =	ssyncset.done $0x0  }
0x55: {  	[sflag:s9] =	ssyncadd.s32 $0xFFFFE700  }
0x56: {  	_ =	sfence.sel $0x180000  }
0x57: {  	[bflag:$0x0] =	sbarrier.arrive $0xFFFF  }
0x58: {  	p0 =	sne.s32 s1, $0x0;
	_ =	strace $0x9000004A  }
0x59: {  	s0 =	sadd.s32 @!p0 $0x100000, s0;
	[bflag:$0x2] =	sbarrier.arrive $0xFFFF  }
0x5a: {  	[sflag:s0] =	ssyncadd.tile.s32 @!p0 $0x1;
	_ =	shalt  }
.Lfunc_end2:
_tile_overlayer_lowered:
.L_overlay_start_2:
0x5b: {  	(tag) =	ssettag $0x2  }
0x5c: {  	s0 =	rddreg [dreg:$0x0];
	s2 =	stileid.u32  }
0x5d: {  	s1 =	rddreg [dreg:$0x1];
	p0 =	sne.s32 s2, $0x0  }
0x5e: {  	s3 =	rddreg [dreg:$0x2];
	[bflag:$0x3] =	sbarrier.arrive $0xFFFF;
	s2 =	simm.s32 @!p0 $0x1C03  }
0x5f: {  	[timem:s3], [sflag:s2] =	dma.local @!p0 [hbm:s0], s1  }
0x60: {  	s0 =	simm.s32 @!p0 $0x3  }
0x61: {  	_ =	swait.ge @!p0 [sflag:s0], s1  }
0x62: {  	s1 =	ssub.s32 @!p0 $0x0, s1;
	[sflag:s0] =	ssyncset.done @!p0 $0x0  }
0x63: {  	[sflag:s0] =	ssyncadd.s32 @!p0 s1  }
0x64: {  	[bflag:$0x3] =	sbarrier.arrive $0xFFFF  }
0x65: {  	_ =	shalt  }

// kernel: _run.7.cloned.1.call-start
scs
__scs_entry_jumppad:
0x0: {  	(pc) =	sbr.rel $0x88, $3  }
0x1: {  	(tag) =	ssettag $0x0;
	lr =	simm.s32 $0x1  }
0x2: {  	[smem:$0x3F99] =	sst lr;
	_ =	strace $0xD0000000  }
0x3: {  	_ = 	snop  }
0x4: {  	_ = 	snop  }
0x5: {  	_ = 	snop  }
0x6: {  	_ = 	snop  }
0x7: {  	_ = 	snop  }
__scs_overlays_trampoline_lowered:
0x8: {  	[smem:$0x3FA8] =	sst s0  }
0x9: {  	[smem:$0x3FA9] =	sst s1  }
0xa: {  	[smem:$0x3FAA] =	sst s2  }
0xb: {  	[smem:$0x3FAB] =	sst s3  }
0xc: {  	[smem:$0x3FAC] =	sst s4  }
0xd: {  	[smem:$0x3FAD] =	sst s5  }
0xe: {  	[smem:$0x3FAE] =	sst s6  }
0xf: {  	[smem:$0x3FAF] =	sst s7  }
0x10: {  	[smem:$0x3FB0] =	sst s8  }
0x11: {  	[smem:$0x3FB1] =	sst s9;
	s0 =	simm.s32 @!p0 $0x0  }
0x12: {  	s1 =	sld [smem:$0x3F97];
	s0 =	simm.s32 @p0 $0x1  }
0x13: {  	[smem:$0x3FB2] =	sst s0;
	s0 =	simm.s32 @!p1 $0x0  }
0x14: {  	s2 =	sld [smem:$0x3F96];
	s0 =	simm.s32 @p1 $0x1  }
0x15: {  	[smem:$0x3FB3] =	sst s0;
	s0 =	simm.s32 @!p2 $0x0  }
0x16: {  	s3 =	sld [smem:$0x3FDB];
	s0 =	simm.s32 @p2 $0x1  }
0x17: {  	s4 =	simm.s32 $0x1BF5;
	[smem:$0x3FB5] =	sst s0  }
0x18: {  	s0 =	sld [smem:$0x3F98];
	_ =	swait.ge [sflag:s4], $0x0  }
0x19: {  	s7 =	sld [smem:$0x3F99]  }
0x1a: {  	s8 =	sadd.s32 $0xFFFFE003, lr  }
0x1b: {  	s9 =	sadd.s32 $0xFFFFFEF7, lr;
	s5 =	simm.s32 $0xFFFFFFFF;
	p2 =	slt.u32 s8, $0xFFFFF086  }
0x1c: {  	p1 =	slt.u32 s9, $0xF7A;
	s5 =	simm.s32 @!p2 $0x0  }
0x1d: {  	s5 =	simm.s32 @p1 $0x1;
	p0 =	seq.s32 s7, s2  }
0x1e: {  	s7 =	smul.u32 @!p0 $0xF7A, s2;
	p2 =	seq.s32 @!p0 s5, $0x0  }
0x1f: {  	s9 =	smul.u32 $0xF7A, s1;
	s8 =	simm.s32 @!p0 $0x1BF5;
	p2 =	por !p2, p0  }
0x20: {  	[sflag:s8] =	ssyncset.s32 @!p0 $0xFFFFF086;
	s6 =	sadd.s32 @!p0 s3, s7;
	s7 =	simm.s32 @!p0 $0x108  }
0x21: {  	s3 =	sadd.s32 s3, s9;
	s6 =	sadd.s32 @!p0 $0x88, s6;
	s7 =	simm.s32 @p2 $0x1082  }
0x22: {  	[simem:s7], [sflag:s8] =	dma.local @!p0 [hbm:s6], $0xF7A  }
0x23: {  	s9 =	sor.u32 $0xD0000000, s2;
	s6 =	simm.s32 $0x108;
	_ =	swait.ge @!p0 [sflag:s8], $0x0  }
0x24: {  	s3 =	sadd.s32 $0x88, s3;
	s6 =	simm.s32 @!p1 $0x1082;
	[sflag:s4] =	ssyncset.s32 $0xFFFFF086  }
0x25: {  	[simem:s6], [sflag:s4] =	dma.local [hbm:s3], $0xF7A  }
0x26: {  	[smem:$0x3F99] =	sst s1;
	(tag) =	ssettag s2;
	_ =	strace s9  }
0x27: {  	s1 =	sld [smem:$0x3FA9]  }
0x28: {  	s2 =	sld [smem:$0x3FAA]  }
0x29: {  	s4 =	sld [smem:$0x3FAC]  }
0x2a: {  	p0 =	seq.s32 s5, $0x0;
	s5 =	sld [smem:$0x3FAD]  }
0x2b: {  	s6 =	sld [smem:$0x3FAE]  }
0x2c: {  	s7 =	sld [smem:$0x3FAF]  }
0x2d: {  	s3 =	simm.s32 $0x108;
	s8 =	sld [smem:$0x3FB0]  }
0x2e: {  	s3 =	simm.s32 @!p0 $0x1082;
	s9 =	sld [smem:$0x3FB1]  }
0x2f: {  	lr =	sadd.s32 s0, s3;
	s0 =	sld [smem:$0x3FA8]  }
0x30: {  	s3 =	sld [smem:$0x3FAB]  }
0x31: {  	[smem:$0x3FB4] =	sst s10  }
0x32: {  	s10 =	sld [smem:$0x3FB2];
	_ =	sdelay $0x3  }
0x33: {  	p0 =	seq.s32 s10, $0x1;
	s10 =	sld [smem:$0x3FB4];
	_ =	sdelay $0x3  }
0x34: {  	[smem:$0x3FB4] =	sst s10  }
0x35: {  	s10 =	sld [smem:$0x3FB3];
	_ =	sdelay $0x3  }
0x36: {  	p1 =	seq.s32 s10, $0x1;
	s10 =	sld [smem:$0x3FB4];
	_ =	sdelay $0x3  }
0x37: {  	[smem:$0x3FB4] =	sst s10  }
0x38: {  	s10 =	sld [smem:$0x3FB5]  }
0x39: {  	_ = 	snop;
	(pc) =	sbr.ind lr, $3  }
0x3a: {  	_ = 	snop  }
0x3b: {  	_ = 	snop  }
0x3c: {  	p2 =	seq.s32 s10, $0x1;
	s10 =	sld [smem:$0x3FB4]  }
0x3d: {  	_ =	shalt  }
0x3e: {  	_ =	shalt  }
0x3f: {  	_ =	shalt  }
0x40: {  	_ =	shalt  }
0x41: {  	_ =	shalt  }
0x42: {  	_ =	shalt  }
0x43: {  	_ =	shalt  }
0x44: {  	_ =	shalt  }
0x45: {  	_ =	shalt  }
0x46: {  	_ =	shalt  }
0x47: {  	_ =	shalt  }
0x48: {  	_ =	shalt  }
0x49: {  	_ =	shalt  }
0x4a: {  	_ =	shalt  }
0x4b: {  	_ =	shalt  }
0x4c: {  	_ =	shalt  }
0x4d: {  	_ =	shalt  }
0x4e: {  	_ =	shalt  }
0x4f: {  	_ =	shalt  }
0x50: {  	_ =	shalt  }
0x51: {  	_ =	shalt  }
0x52: {  	_ =	shalt  }
0x53: {  	_ =	shalt  }
0x54: {  	_ =	shalt  }
0x55: {  	_ =	shalt  }
0x56: {  	_ =	shalt  }
0x57: {  	_ =	shalt  }
0x58: {  	_ =	shalt  }
0x59: {  	_ =	shalt  }
0x5a: {  	_ =	shalt  }
0x5b: {  	_ =	shalt  }
0x5c: {  	_ =	shalt  }
0x5d: {  	_ =	shalt  }
0x5e: {  	_ =	shalt  }
0x5f: {  	_ =	shalt  }
0x60: {  	_ =	shalt  }
0x61: {  	_ =	shalt  }
0x62: {  	_ =	shalt  }
0x63: {  	_ =	shalt  }
0x64: {  	_ =	shalt  }
0x65: {  	_ =	shalt  }
0x66: {  	_ =	shalt  }
0x67: {  	_ =	shalt  }
0x68: {  	_ =	shalt  }
0x69: {  	_ =	shalt  }
0x6a: {  	_ =	shalt  }
0x6b: {  	_ =	shalt  }
0x6c: {  	_ =	shalt  }
0x6d: {  	_ =	shalt  }
0x6e: {  	_ =	shalt  }
0x6f: {  	_ =	shalt  }
0x70: {  	_ =	shalt  }
0x71: {  	_ =	shalt  }
0x72: {  	_ =	shalt  }
0x73: {  	_ =	shalt  }
0x74: {  	_ =	shalt  }
0x75: {  	_ =	shalt  }
0x76: {  	_ =	shalt  }
0x77: {  	_ =	shalt  }
0x78: {  	_ =	shalt  }
0x79: {  	_ =	shalt  }
0x7a: {  	_ =	shalt  }
0x7b: {  	_ =	shalt  }
0x7c: {  	_ =	shalt  }
0x7d: {  	_ =	shalt  }
0x7e: {  	_ =	shalt  }
0x7f: {  	_ =	shalt  }
0x80: {  	_ =	shalt  }
0x81: {  	_ =	shalt  }
0x82: {  	_ =	shalt  }
0x83: {  	_ =	shalt  }
0x84: {  	_ =	shalt  }
0x85: {  	_ =	shalt  }
0x86: {  	_ =	shalt  }
0x87: {  	_ =	shalt  }
.Lfunc_end0:
.L_simem_size_0:
called_computation_lowered:
.L_overlay_start_0:
0x88: {  	s2 =	sld [smem:$0x3FD9]  }
0x89: {  	s3 =	sld [smem:$0x3FFE];
	_ =	sdelay $0x1  }
0x8a: {  	s1 =	srdreg.scid  }
0x8b: {  	s0 =	sand.u32 $0x1, s1  }
0x8c: {  	s14 =	sshll.u32 s0, $0xA;
	s2 =	sadd.s32 s3, s2  }
0x8d: {  	s2 =	sadd.s32 s2, s14  }
0x8e: {  	[smem:$0x3FC0] =	sst s2  }
0x8f: {  	_ = 	snop  }
0x90: {  	s2 =	sld [smem:$0x3FD0];
	_ =	sdelay $0x2  }
0x91: {  	s15 =	simm.s32 $0xA;
	s4 =	simm.s32 $0x10  }
0x92: {  	[smem:s4], [sflag:s15] =	dma.local [hbm:s2], $0x1  }
0x93: {  	_ =	swait.eq [sflag:s15], $0x1  }
0x94: {  	[sflag:s15] =	ssyncset.done $0x0  }
0x95: {  	[sflag:s15] =	ssyncadd.s32 $0xFFFFFFFF  }
0x96: {  	s16 =	sld [smem:$0x10];
	(tm) =	ssettm $0x1  }
0x97: {  	s17 =	sld [smem:$0x3FFB];
	_ =	sdelay $0x3  }
0x98: {  	_ =	strace s17  }
0x99: {  	s3 =	sld [smem:$0x3FFC];
	_ =	sdelay $0x3  }
0x9a: {  	_ =	strace s3  }
0x9b: {  	s3 =	sld [smem:$0x3FFD];
	_ =	sdelay $0x3  }
0x9c: {  	_ =	strace s3  }
0x9d: {  	_ =	strace $0x8FFFFFFF  }
0x9e: {  	s18 =	sld [smem:$0x3FDB];
	_ =	sdelay $0x1  }
0x9f: {  	s19 =	simm.s32 $_scs_section_size  }
0xa0: {  	s5 =	simm.s32 $_size__tile_overlayer_lowered;
	s6 =	simm.s32 $_tile_overlayer_lowered  }
0xa1: {  	s22 =	simm.s32 $0x1BFF;
	s21 =	sshll.u32 s6, $0x1;
	s3 =	sadd.s32 s19, s18  }
0xa2: {  	s7 =	simm.s32 $0x0;
	s20 =	sshll.u32 s5, $0x1;
	s5 =	sadd.s32 s21, s3  }
0xa3: {  	[timem:s7], [sflag:s22] =	dma.local [hbm:s5], s20  }
0xa4: {  	_ =	swait.ge [sflag:s22], s20  }
0xa5: {  	s4 =	ssub.s32 $0x0, s20;
	[sflag:s22] =	ssyncset.done $0x0  }
0xa6: {  	[sflag:s22] =	ssyncadd.s32 s4;
	_ =	sdelay $0x1  }
0xa7: {  	s23 =	simm.s32 $0x1B8B  }
0xa8: {  	_ =	swait.ge [sflag:s23], $0x1  }
0xa9: {  	[sflag:s23] =	ssyncset.done $0x0  }
0xaa: {  	s25 =	simm.s32 $0x1B8E;
	s24 =	sld [smem:$0x3FFE];
	[sflag:s23] =	ssyncadd.s32 $0xFFFFFFFF  }
0xab: {  	s26 =	simm.s32 $execute0_lowered;
	[smem:$0x3FD2] =	sst s25  }
0xac: {  	s5 =	sshll.u32 s26, $0x1;
	_ =	strace $0x80000046;
	[dreg:$0x1] =	wrdreg $0xFFFFFFFF  }
0xad: {  	s28 =	simm.s32 $_size_execute0_lowered;
	s3 =	sadd.s32 s3, s5;
	[dreg:$0x0] =	wrdreg $0x0  }
0xae: {  	s5 =	sshll.u32 s28, $0x1;
	[dreg:$0x2] =	wrdreg s3  }
0xaf: {  	[dreg:$0x3] =	wrdreg s5  }
0xb0: {  	[dreg:$0x4] =	wrdreg $0xC0  }
0xb1: {  	_ =	task [dreg:s7], $0x5FFFF  }
0xb2: {  	[dreg:$0x1] =	wrdreg $0xFFFFFFFF  }
0xb3: {  	[dreg:$0x0] =	wrdreg $0x60  }
0xb4: {  	[dreg:$0x2] =	wrdreg s24  }
0xb5: {  	[dreg:$0x3] =	wrdreg s16  }
0xb6: {  	[dreg:$0x4] =	wrdreg $0xF0000  }
0xb7: {  	[dreg:$0x5] =	wrdreg $0x9  }
0xb8: {  	_ =	task.clear_ibuf [dreg:s7], $0x6FFFF;
	_ =	strace $0x90000046  }
0xb9: {  	s29 =	simm.s32 $0x9;
	_ =	strace $0x80000048  }
0xba: {  	_ =	swait.ge [sflag:s29], $0x1  }
0xbb: {  	[sflag:s29] =	ssyncadd.s32 $0xFFFFFFFF  }
0xbc: {  	_ =	strace $0x90000048  }
0xbd: {  	_ =	sfence  }
0xbe: {  	s30 =	sld [smem:$0x0];
	_ =	sdelay $0x2  }
0xbf: {  	s31 =	sshll.u32 s1, $0xD;
	s1 =	sshrl.u32 s1, $0x2  }
0xc0: {  	s3 =	sand.u32 $0x4000, s31;
	s1 =	sadd.s32 s1, s30  }
0xc1: {  	s0 =	sor.u32 s3, s0;
	s1 =	sshll.u32 s1, $0x11  }
0xc2: {  	s0 =	sor.u32 s1, s0  }
0xc3: {  	s0 =	sadd.s32 $0x8F2B, s0  }
0xc4: {  	[sflag:s0] =	ssyncadd.remote.s32 $0x1  }
0xc5: {  	_ =	sfence.sel $0xFFFF  }
0xc6: {  	[dreg:$0x0] =	wrdreg $0xFFFFFFFF;
	(pc) =	sbr.abs _section_cstart, $3  }
0xc7: {  	[dreg:$0x1] =	wrdreg $0xFFFFFFFF  }
0xc8: {  	_ =	task.clear_ibuf [dreg:s7], $0x2FFFF;
	_ =	strace $0x9FFFFFFF  }
0xc9: {  	(tm) =	ssettm $0x7FFFFFFF  }
tec
execute0_lowered:
.L_overlay_start_1:
0x0: {  	(tag) =	ssettag $0x1  }
0x1: {  	s5 =	rddreg [dreg:$0x0]  }
0x2: {  	s0 =	srdreg.scid;
	s7 =	rddreg [dreg:$0x1]  }
0x3: {  	s2 =	rddreg [dreg:$0x2];
	s1 =	stileid.u32;
	s3 =	simm.s32 $0x0  }
0x4: {  	s14 =	simm.s32 $0xA000;
	s15 =	simm.s32 $0xC800;
	s16 =	simm.s32 $0x1  }
0x5: {  	s6 =	sand.u32 $0x1, s0;
	s0 =	rddreg [dreg:$0x3];
	s9 =	smul.u32 $0xA00, s1  }
0x6: {  	s17 =	simm.s32 $0x2;
	[smem:$0x7FF] =	sst s3;
	s12 =	smul.u32 $0xC800, s1  }
0x7: {  	s31 =	sshll.u32 s1, $0x6;
	s4 =	sshll.u32 s6, $0x4;
	_ =	strace $0x80000047  }
0x8: {  	s10 =	smul.u32 $0x19000, s6;
	s6 =	ssub.s32 $0x2, s6;
	s4 =	sor.u32 s1, s4  }
0x9: {  	s9 =	sadd.s32 s9, s5;
	s11 =	sshrl.u32 s6, $0x1;
	s13 =	sadd.s32 s12, s2  }
0xa: {  	s18 =	sshrl.u32 s12, $0x3;
	s8 =	smul.u32 $0xA00, s4;
	s4 =	sadd.s32 $0x1800, s5  }
0xb: {  	s10 =	sadd.s32 s10, s5;
	s11 =	ssub.s32 s6, s11;
	s6 =	sadd.s32 $0x32600, s9  }
0xc: {  	s7 =	sadd.s32 s7, s18;
	s9 =	simm.s32 $0x3;
	s12 =	sshrl.u32 s13, $0x3  }
0xd: {  	s13 =	simm.s32 $0x80;
	s19 =	sadd.s32 $0x50600, s10;
	s10 =	simm.s32 $0x5000  }
0xe: {  	s8 =	sadd.s32 s8, s5;
	s18 =	sadd.s32 s18, s19;
	s19 =	simm.s32 $0x0  }
0xf: {  	s5 =	sadd.s32 $0x3C600, s8;
	s8 =	smax.u32 s11, $0x1;
	s11 =	sor.u32 $0x1C03, s31  }
.LBB2_1:
0x10: {  	[tilespmem:s3], [sflag:$0x3] =	stream.linear.gather [hbm4b:s5+s3], $0x5000, $0x38;
	[tilespmem:$0x1B800] =	vst v63  }
0x11: {  	_ =	swait.ge [sflag:s9], $0x5000  }
0x12: {  	[sflag:s9] =	ssyncset.done $0x0  }
0x13: {  	[sflag:s9] =	ssyncadd.s32 $0xFFFFB000  }
0x14: {  	[tilespmem:s10], [sflag:$0x3] =	stream.linear.gather [hbm4b:s6+s3], $0x5000, $0x38;
	[tilespmem:$0x1B800] =	vst v63  }
0x15: {  	_ =	swait.ge [sflag:s9], $0x5000  }
0x16: {  	[sflag:s9] =	ssyncset.done $0x0  }
0x17: {  	[sflag:s9] =	ssyncadd.s32 $0xFFFFB000  }
0x18: {  	[spmem:s12], [sflag:s11] =	dma.local [hbm:s7], $0x1900  }
0x19: {  	_ =	swait.ge [sflag:s9], $0x1900  }
0x1a: {  	[sflag:s9] =	ssyncset.done $0x0  }
0x1b: {  	[sflag:s9] =	ssyncadd.s32 $0xFFFFE700  }
0x1c: {  	s20 =	simm.s32 $0x0;
	[bflag:$0x0] =	sbarrier.arrive $0xFFFF  }
0x1d: {  	[tilespmem:s14], [sflag:$0x1] =	stream.indirect.gather [hbm4b:s4+s13], $0x50, s20, s13, $0xb8;
	[tilespmem:$0x1B800] =	vst v63  }
0x1e: {  	s29 =	simm.s32 $0x80  }
0x1f: {  	[tilespmem:s15], [sflag:$0x2] =	stream.indirect.gather [hbm4b:s4+s13], $0x50, s29, s13, $0xb8;
	[tilespmem:$0x1B800] =	vst v63  }
0x20: {  	_ =	swait.ge [sflag:s16], $0x2800  }
0x21: {  	[sflag:s16] =	ssyncset.done $0x0  }
0x22: {  	s30 =	simm.s32 $0x5000;
	[sflag:s16] =	ssyncadd.s32 $0xFFFFD800  }
0x23: {  	[spmem:s2] =	stream.indirect.scatter.add.f32 [tilespmem:s14], [sflag:$0x3], $0x50, s30, s13, $0xb8;
	[tilespmem:$0x1B800] =	vst v63  }
0x24: {  	_ =	swait.ge [sflag:s9], $0x2800  }
0x25: {  	[sflag:s9] =	ssyncset.done $0x0  }
0x26: {  	[sflag:s9] =	ssyncadd.s32 $0xFFFFD800  }
0x27: {  	_ =	swait.ge [sflag:s17], $0x2800  }
0x28: {  	[sflag:s17] =	ssyncset.done $0x0  }
0x29: {  	s31 =	simm.s32 $0x5080;
	[sflag:s17] =	ssyncadd.s32 $0xFFFFD800  }
0x2a: {  	[spmem:s2] =	stream.indirect.scatter.add.f32 [tilespmem:s15], [sflag:$0x3], $0x50, s31, s13, $0xb8;
	[tilespmem:$0x1B800] =	vst v63  }
0x2b: {  	_ =	swait.ge [sflag:s9], $0x2800  }
0x2c: {  	s21 =	simm.s32 $0x800;
	s20 =	simm.s32 $0x400;
	[sflag:s9] =	ssyncset.done $0x0  }
.LBB2_2:
0x2d: {  	s22 =	sshra.s32 s20, $0x2  }
0x2e: {  	[sflag:s9] =	ssyncadd.s32 $0xFFFFD800;
	s20 =	smov.u32 s21;
	s23 =	sadd.s32 $0x400, s21  }
0x2f: {  	[tilespmem:s14], [sflag:$0x1] =	stream.indirect.gather [hbm4b:s4+s13], $0x50, s22, s13, $0xb8;
	[tilespmem:$0x1B800] =	vst v63  }
0x30: {  	p0 =	sne.s32 s21, $0x13C00;
	s21 =	sadd.s32 $0x80, s22  }
0x31: {  	[tilespmem:s15], [sflag:$0x2] =	stream.indirect.gather [hbm4b:s4+s13], $0x50, s21, s13, $0xb8;
	[tilespmem:$0x1B800] =	vst v63  }
0x32: {  	_ =	swait.ge [sflag:s16], $0x2800  }
0x33: {  	[sflag:s16] =	ssyncset.done $0x0  }
0x34: {  	s21 =	sadd.s32 $0x5000, s22;
	[sflag:s16] =	ssyncadd.s32 $0xFFFFD800  }
0x35: {  	[spmem:s2] =	stream.indirect.scatter.add.f32 [tilespmem:s14], [sflag:$0x3], $0x50, s21, s13, $0xb8;
	[tilespmem:$0x1B800] =	vst v63  }
0x36: {  	_ =	swait.ge [sflag:s9], $0x2800  }
0x37: {  	[sflag:s9] =	ssyncset.done $0x0  }
0x38: {  	[sflag:s9] =	ssyncadd.s32 $0xFFFFD800  }
0x39: {  	_ =	swait.ge [sflag:s17], $0x2800  }
.Ltmp0:
0x3a: {  	[sflag:s17] =	ssyncset.done $0x0;
	(pc) =	sbr.rel @p0 .LBB2_2-.Ltmp0, $4  }
0x3b: {  	s21 =	sadd.s32 $0x5080, s22;
	[sflag:s17] =	ssyncadd.s32 $0xFFFFD800  }
0x3c: {  	[spmem:s2] =	stream.indirect.scatter.add.f32 [tilespmem:s15], [sflag:$0x3], $0x50, s21, s13, $0xb8;
	[tilespmem:$0x1B800] =	vst v63  }
0x3d: {  	_ =	swait.ge [sflag:s9], $0x2800  }
0x3e: {  	s21 =	smov.u32 s23;
	[sflag:s9] =	ssyncset.done $0x0  }
0x3f: {  	s20 =	sshra.s32 s20, $0x2;
	[sflag:s9] =	ssyncadd.s32 $0xFFFFD800  }
0x40: {  	[tilespmem:s14], [sflag:$0x1] =	stream.indirect.gather [hbm4b:s4+s13], $0x50, s20, s13, $0xb8;
	[tilespmem:$0x1B800] =	vst v63  }
0x41: {  	s21 =	sadd.s32 $0x80, s20  }
0x42: {  	[tilespmem:s15], [sflag:$0x2] =	stream.indirect.gather [hbm4b:s4+s13], $0x50, s21, s13, $0xb8;
	[tilespmem:$0x1B800] =	vst v63  }
0x43: {  	_ =	swait.ge [sflag:s16], $0x2800  }
0x44: {  	[sflag:s16] =	ssyncset.done $0x0  }
0x45: {  	s31 =	sadd.s32 $0x5000, s20;
	[sflag:s16] =	ssyncadd.s32 $0xFFFFD800  }
0x46: {  	[spmem:s2] =	stream.indirect.scatter.add.f32 [tilespmem:s14], [sflag:$0x3], $0x50, s31, s13, $0xb8;
	[tilespmem:$0x1B800] =	vst v63  }
0x47: {  	_ =	swait.ge [sflag:s9], $0x2800  }
0x48: {  	[sflag:s9] =	ssyncset.done $0x0  }
0x49: {  	[sflag:s9] =	ssyncadd.s32 $0xFFFFD800  }
0x4a: {  	_ =	swait.ge [sflag:s17], $0x2800  }
0x4b: {  	[sflag:s17] =	ssyncset.done $0x0  }
0x4c: {  	s20 =	sadd.s32 $0x5080, s20;
	[sflag:s17] =	ssyncadd.s32 $0xFFFFD800  }
0x4d: {  	[spmem:s2] =	stream.indirect.scatter.add.f32 [tilespmem:s15], [sflag:$0x3], $0x50, s20, s13, $0xb8;
	[tilespmem:$0x1B800] =	vst v63  }
0x4e: {  	_ =	swait.ge [sflag:s9], $0x2800  }
0x4f: {  	s19 =	sadd.s32 $0x1, s19;
	[sflag:s9] =	ssyncset.done $0x0  }
0x50: {  	p0 =	sne.s32 s19, s8;
	[sflag:s9] =	ssyncadd.s32 $0xFFFFD800  }
.Ltmp1:
0x51: {  	[bflag:$0x0] =	sbarrier.arrive $0xFFFF;
	(pc) =	sbr.rel @p0 .LBB2_1-.Ltmp1, $4  }
0x52: {  	[hbm:s18], [sflag:s11] =	dma.local [spmem:s12], $0x1900  }
0x53: {  	_ =	swait.ge [sflag:s9], $0x1900  }
0x54: {  	[sflag:s9] =	ssyncset.done $0x0  }
0x55: {  	[sflag:s9] =	ssyncadd.s32 $0xFFFFE700  }
0x56: {  	_ =	sfence.sel $0x180000  }
0x57: {  	[bflag:$0x0] =	sbarrier.arrive $0xFFFF  }
0x58: {  	p0 =	sne.s32 s1, $0x0;
	_ =	strace $0x90000047  }
0x59: {  	s0 =	sadd.s32 @!p0 $0x100000, s0;
	[bflag:$0x2] =	sbarrier.arrive $0xFFFF  }
0x5a: {  	[sflag:s0] =	ssyncadd.tile.s32 @!p0 $0x1;
	_ =	shalt  }
.Lfunc_end2:
_tile_overlayer_lowered:
.L_overlay_start_2:
0x5b: {  	(tag) =	ssettag $0x2  }
0x5c: {  	s0 =	rddreg [dreg:$0x0];
	s2 =	stileid.u32  }
0x5d: {  	s1 =	rddreg [dreg:$0x1];
	p0 =	sne.s32 s2, $0x0  }
0x5e: {  	s3 =	rddreg [dreg:$0x2];
	[bflag:$0x3] =	sbarrier.arrive $0xFFFF;
	s2 =	simm.s32 @!p0 $0x1C03  }
0x5f: {  	[timem:s3], [sflag:s2] =	dma.local @!p0 [hbm:s0], s1  }
0x60: {  	s0 =	simm.s32 @!p0 $0x3  }
0x61: {  	_ =	swait.ge @!p0 [sflag:s0], s1  }
0x62: {  	s1 =	ssub.s32 @!p0 $0x0, s1;
	[sflag:s0] =	ssyncset.done @!p0 $0x0  }
0x63: {  	[sflag:s0] =	ssyncadd.s32 @!p0 s1  }
0x64: {  	[bflag:$0x3] =	sbarrier.arrive $0xFFFF  }
0x65: {  	_ =	shalt  }

</sc_bundles>
